<compile_context>
chip_gen: v7x
topology: tpu7x:2x2x1
jax: 0.10.2.dev20260603
libtpu: 0.0.44.dev20260713+nightly
codegen_flags: <defaults>
</compile_context>

<pallas_src>
import functools

import jax
import jax.numpy as jnp
import numpy as np
from jax import lax
from jax.experimental import pallas as pl
from jax.experimental.pallas import tpu as pltpu
from jax.experimental.pallas import tpu_sc as plsc

B, N, D = 8, 2048, 512


def _compute_order() -> np.ndarray:
    with jax.default_device(jax.local_devices(backend="cpu")[0]):
        rand = jax.random.uniform(jax.random.key(42), (B, N), dtype=jnp.float32)
        order = jnp.argsort(rand, axis=1)
        return np.asarray(order)


_ORDER = _compute_order()
_FLAT_IDX = (_ORDER.astype(np.int64) + np.arange(B, dtype=np.int64)[:, None] * N)
_FLAT_IDX = _FLAT_IDX.astype(np.int32).reshape(-1)

_INFO = plsc.get_sparse_core_info()
_NC, _NS, _L = _INFO.num_cores, _INFO.num_subcores, _INFO.num_lanes
_NW = _NC * _NS
_RPW = (B * N) // _NW
_CHUNK = 64
_NCHUNK = _RPW // _CHUNK
_NBUF = 3
_LAG = 1
_WPB = _NW // B

_mesh = plsc.VectorSubcoreMesh(core_axis_name="c", subcore_axis_name="s")


@functools.partial(
    pl.kernel,
    mesh=_mesh,
    out_type=(
        jax.ShapeDtypeStruct((B, N, D), jnp.float32),
        jax.ShapeDtypeStruct((B, N), jnp.int32),
        jax.ShapeDtypeStruct((B, N), jnp.int32),
    ),
    scratch_types=[
        pltpu.VMEM((_RPW,), jnp.int32),
        pltpu.VMEM((_NBUF, _CHUNK, D), jnp.float32),
        pltpu.VMEM((_RPW,), jnp.int32),
        pltpu.VMEM((_RPW,), jnp.int32),
        pltpu.SemaphoreType.DMA,
        pltpu.SemaphoreType.DMA,
        pltpu.SemaphoreType.DMA,
        pltpu.SemaphoreType.DMA,
    ],
)
def _shuffle_sc(pf_hbm, tf_hbm, idx_hbm, out_p, out_t, out_o,
                idx_v, rows_v, tout_v, ord_v, gsem, ssem, tsem, osem):
    c = lax.axis_index("c")
    s = lax.axis_index("s")
    wid = s * _NC + c
    base = wid * _RPW
    b = wid // _WPB
    r0 = (wid % _WPB) * _RPW

    pltpu.sync_copy(idx_hbm.at[pl.ds(base, _RPW)], idx_v)

    def gather(j):
        return pltpu.async_copy(pf_hbm.at[idx_v.at[pl.ds(j * _CHUNK, _CHUNK)]],
                                rows_v.at[j % _NBUF], gsem)

    def scatter(j):
        return pltpu.async_copy(rows_v.at[j % _NBUF],
                                out_p.at[b, pl.ds(r0 + j * _CHUNK, _CHUNK)],
                                ssem)

    gcp, scp = {}, {}
    for j in range(_NCHUNK):
        if j - _NBUF >= 0:
            scp[j - _NBUF].wait()
        gcp[j] = gather(j)
        if j - _LAG >= 0:
            gcp[j - _LAG].wait()
            scp[j - _LAG] = scatter(j - _LAG)
    for j in range(_NCHUNK - _LAG, _NCHUNK):
        gcp[j].wait()
        scp[j] = scatter(j)

    boff = b * N
    for t in range(_RPW // _L):
        ord_v[pl.ds(t * _L, _L)] = idx_v[pl.ds(t * _L, _L)] - boff
    ocp = pltpu.async_copy(ord_v, out_o.at[b, pl.ds(r0, _RPW)], osem)

    tcopies = [
        pltpu.async_copy(tf_hbm.at[idx_v.at[pl.ds(j * _CHUNK, _CHUNK)]],
                         tout_v.at[pl.ds(j * _CHUNK, _CHUNK)], tsem)
        for j in range(_NCHUNK)
    ]

    for j in range(max(0, _NCHUNK - _NBUF), _NCHUNK):
        scp[j].wait()
    for cp in tcopies:
        cp.wait()
    pltpu.sync_copy(tout_v, out_t.at[b, pl.ds(r0, _RPW)])
    ocp.wait()


def kernel(patches, tokens):
    pf = patches.reshape(B * N, D)
    tf = tokens.reshape(B * N)
    idx = jnp.asarray(_FLAT_IDX)
    out_p, out_t, out_o = _shuffle_sc(pf, tf, idx)
    return (out_p, out_t, out_o)

# --- scband reference (transcript-rebuilt; emitter-appended) ---
"""Pipeline reference for scband-bold-shuffle-8254927143617 (READ-ONLY COPY).

The authoritative reference and input builder live on the scoring server;
editing this copy changes nothing except your own understanding.
"""

import jax, jax.numpy as jnp
import numpy as np


def setup_inputs(seed: int = 0) -> dict:
    key = jax.random.key(seed)
    k1, k2 = jax.random.split(key)
    patches = jax.random.normal(k1, (8, 2048, 512), dtype=jnp.float32)
    tokens = jax.random.randint(k2, (8, 2048), 0, 1000, dtype=jnp.int32)
    return {"patches": patches, "tokens": tokens}


def reference(patches, tokens):
    # BoldShuffle.forward: per-batch random permutation of token order.
    B, N, _ = patches.shape
    rkey = jax.random.key(42)  # stands in for torch.rand's RNG state
    rand = jax.random.uniform(rkey, (B, N), dtype=jnp.float32)
    order = jnp.argsort(rand, axis=1)
    patches_s = jnp.take_along_axis(patches, order[..., None], axis=1)
    tokens_s = jnp.take_along_axis(tokens, order, axis=1)
    return (patches_s, tokens_s, order)

if __name__ == "__main__":
    import jax
    _d = setup_inputs()
    print(jax.jit(kernel)(*tuple(_d.values())))

</pallas_src>

<mosaic_0001>
#map = affine_map<(d0, d1) -> (0, 0)>
#map1 = affine_map<(d0, d1) -> (0)>
#map2 = affine_map<(d0, d1) -> (0, 0, 0)>
module attributes {stable_mosaic.version = 14 : i64} {
  func.func @_shuffle_sc(%arg0: i32, %arg1: i32, %arg2: memref<16384x512xf32, #tpu.memory_space<hbm>>, %arg3: memref<16384xi32, #tpu.memory_space<hbm>>, %arg4: memref<16384xi32, #tpu.memory_space<hbm>>, %arg5: memref<8x2048x512xf32, #tpu.memory_space<hbm>>, %arg6: memref<8x2048xi32, #tpu.memory_space<hbm>>, %arg7: memref<8x2048xi32, #tpu.memory_space<hbm>>, %arg8: memref<512xi32, #tpu.memory_space<vmem>>, %arg9: memref<3x64x512xf32, #tpu.memory_space<vmem>>, %arg10: memref<512xi32, #tpu.memory_space<vmem>>, %arg11: memref<512xi32, #tpu.memory_space<vmem>>, %arg12: memref<!tpu.dma_semaphore, #tpu.memory_space<semaphore_mem>>, %arg13: memref<!tpu.dma_semaphore, #tpu.memory_space<semaphore_mem>>, %arg14: memref<!tpu.dma_semaphore, #tpu.memory_space<semaphore_mem>>, %arg15: memref<!tpu.dma_semaphore, #tpu.memory_space<semaphore_mem>>) attributes {dimension_semantics = [#tpu.dimension_semantics<core_parallel>, #tpu.dimension_semantics<subcore_parallel>], iteration_bounds = array<i64: 2, 16>, scalar_prefetch = 0 : i64, scratch_operands = 8 : i64, tpu.core_type = #tpu.core_type<sc_vector_subcore>, window_params = [{transform_indices = #map}, {transform_indices = #map1}, {transform_indices = #map1}, {transform_indices = #map2}, {transform_indices = #map}, {transform_indices = #map}]} {
    %mul3A = arith.constant 2 : i32
    %mul3A_0 = arith.muli %arg1, %mul3A : i32
    %add3A = arith.addi %mul3A_0, %arg0 : i32
    %mul3A_1 = arith.constant 512 : i32
    %mul3A_2 = arith.muli %add3A, %mul3A_1 : i32
    %jit3A = arith.constant 4 : i32
    %div3A = arith.divsi %add3A, %jit3A : i32
    %sign3A = arith.constant 0 : i32
    %sign3A_3 = arith.cmpi sgt, %add3A, %sign3A : i32
    %sign3A_4 = arith.extui %sign3A_3 : i1 to i32
    %sign3A_5 = arith.constant 0 : i32
    %sign3A_6 = arith.cmpi slt, %add3A, %sign3A_5 : i32
    %sign3A_7 = arith.extui %sign3A_6 : i1 to i32
    %sign3A_8 = arith.subi %sign3A_4, %sign3A_7 : i32
    %sign3A_9 = arith.constant 0 : i32
    %sign3A_10 = arith.cmpi sgt, %jit3A, %sign3A_9 : i32
    %sign3A_11 = arith.extui %sign3A_10 : i1 to i32
    %sign3A_12 = arith.constant 0 : i32
    %sign3A_13 = arith.cmpi slt, %jit3A, %sign3A_12 : i32
    %sign3A_14 = arith.extui %sign3A_13 : i1 to i32
    %sign3A_15 = arith.subi %sign3A_11, %sign3A_14 : i32
    %ne3A = arith.cmpi ne, %sign3A_8, %sign3A_15 : i32
    %rem3A = arith.remsi %add3A, %jit3A : i32
    %ne3A_16 = arith.constant 0 : i32
    %ne3A_17 = arith.cmpi ne, %rem3A, %ne3A_16 : i32
    %and3A = arith.andi %ne3A, %ne3A_17 : i1
    %sub3A = arith.constant 1 : i32
    %sub3A_18 = arith.subi %div3A, %sub3A : i32
    %select_n3A = arith.select %and3A, %sub3A_18, %div3A : i32
    %jit3A_19 = arith.constant 4 : i32
    %eq3A = arith.constant 0 : i32
    %eq3A_20 = arith.cmpi eq, %jit3A_19, %eq3A : i32
    %jit3A_21 = arith.constant 1 : i32
    %select_n3A_22 = arith.select %eq3A_20, %jit3A_21, %jit3A_19 : i32
    %rem3A_23 = arith.remsi %add3A, %select_n3A_22 : i32
    %ne3A_24 = arith.constant 0 : i32
    %ne3A_25 = arith.cmpi ne, %rem3A_23, %ne3A_24 : i32
    %lt3A = arith.constant 0 : i32
    %lt3A_26 = arith.cmpi slt, %rem3A_23, %lt3A : i32
    %lt3A_27 = arith.constant 0 : i32
    %lt3A_28 = arith.cmpi slt, %select_n3A_22, %lt3A_27 : i32
    %ne3A_29 = arith.xori %lt3A_26, %lt3A_28 : i1
    %and3A_30 = arith.andi %ne3A_29, %ne3A_25 : i1
    %add3A_31 = arith.addi %rem3A_23, %select_n3A_22 : i32
    %select_n3A_32 = arith.select %and3A_30, %add3A_31, %rem3A_23 : i32
    %mul3A_33 = arith.constant 512 : i32
    %mul3A_34 = arith.muli %select_n3A_32, %mul3A_33 : i32
    "tpu.region"() ({
      %run_scoped3A = tpu.sem_alloc : memref<!tpu.dma_semaphore, #tpu.memory_space<semaphore_mem>>
      %dma_start3A_841 = tpu.memref_slice %arg4[%mul3A_2] : memref<16384xi32, #tpu.memory_space<hbm>> -> memref<512xi32, #tpu.memory_space<hbm>>
      %dma_start3A_842 = tpu.memref_slice %arg4[%mul3A_2] : memref<16384xi32, #tpu.memory_space<hbm>> -> memref<512xi32, #tpu.memory_space<hbm>>
      tpu.enqueue_dma source(%dma_start3A_842 : memref<512xi32, #tpu.memory_space<hbm>>) target(%arg8 : memref<512xi32, #tpu.memory_space<vmem>>) target_semaphore(%run_scoped3A : memref<!tpu.dma_semaphore, #tpu.memory_space<semaphore_mem>>)
      %dma_wait3A_843 = tpu.memref_slice %arg4[%mul3A_2] : memref<16384xi32, #tpu.memory_space<hbm>> -> memref<512xi32, #tpu.memory_space<hbm>>
      %dma_wait3A_844 = tpu.memref_slice %arg4[%mul3A_2] : memref<16384xi32, #tpu.memory_space<hbm>> -> memref<512xi32, #tpu.memory_space<hbm>>
      tpu.wait_dma2 semaphore(%run_scoped3A : memref<!tpu.dma_semaphore, #tpu.memory_space<semaphore_mem>>) src(%dma_wait3A_844 : memref<512xi32, #tpu.memory_space<hbm>>) dst(%arg8 : memref<512xi32, #tpu.memory_space<vmem>>)
      tpu.yield
    }) : () -> ()
    %dma_start3A = arith.constant 0 : i32
    %dma_start3A_35 = arith.constant 0 : i32
    %dma_start3A_36 = arith.constant 0 : i32
    %dma_start3A_37 = tpu.memref_slice %arg9[%dma_start3A, %dma_start3A_35, %dma_start3A_36] : memref<3x64x512xf32, #tpu.memory_space<vmem>> -> memref<1x64x512xf32, #tpu.memory_space<vmem>>
    %dma_start3A_38 = tpu.memref_squeeze %dma_start3A_37 : memref<1x64x512xf32, #tpu.memory_space<vmem>> -> memref<64x512xf32, #tpu.memory_space<vmem>>
    %dma_start3A_39 = arith.constant 0 : i32
    %dma_start3A_40 = tpu.memref_slice %arg8[%dma_start3A_39] : memref<512xi32, #tpu.memory_space<vmem>> -> memref<64xi32, #tpu.memory_space<vmem>>
    %dma_start3A_41 = arith.constant 0 : i32
    %dma_start3A_42 = arith.constant 0 : i32
    %dma_start3A_43 = tpu.memref_slice %arg2[%dma_start3A_41, %dma_start3A_42] : memref<16384x512xf32, #tpu.memory_space<hbm>> -> memref<16384x512xf32, #tpu.memory_space<hbm>>
    tpu.enqueue_indirect_dma source(%dma_start3A_43 : memref<16384x512xf32, #tpu.memory_space<hbm>>) target(%dma_start3A_38 : memref<64x512xf32, #tpu.memory_space<vmem>>) offsets(%dma_start3A_40 : memref<64xi32, #tpu.memory_space<vmem>>) semaphore(%arg12 : memref<!tpu.dma_semaphore, #tpu.memory_space<semaphore_mem>>)
    %dma_start3A_44 = arith.constant 1 : i32
    %dma_start3A_45 = arith.constant 0 : i32
    %dma_start3A_46 = arith.constant 0 : i32
    %dma_start3A_47 = tpu.memref_slice %arg9[%dma_start3A_44, %dma_start3A_45, %dma_start3A_46] : memref<3x64x512xf32, #tpu.memory_space<vmem>> -> memref<1x64x512xf32, #tpu.memory_space<vmem>>
    %dma_start3A_48 = tpu.memref_squeeze %dma_start3A_47 : memref<1x64x512xf32, #tpu.memory_space<vmem>> -> memref<64x512xf32, #tpu.memory_space<vmem>>
    %dma_start3A_49 = arith.constant 64 : i32
    %dma_start3A_50 = tpu.memref_slice %arg8[%dma_start3A_49] : memref<512xi32, #tpu.memory_space<vmem>> -> memref<64xi32, #tpu.memory_space<vmem>>
    %dma_start3A_51 = arith.constant 0 : i32
    %dma_start3A_52 = arith.constant 0 : i32
    %dma_start3A_53 = tpu.memref_slice %arg2[%dma_start3A_51, %dma_start3A_52] : memref<16384x512xf32, #tpu.memory_space<hbm>> -> memref<16384x512xf32, #tpu.memory_space<hbm>>
    tpu.enqueue_indirect_dma source(%dma_start3A_53 : memref<16384x512xf32, #tpu.memory_space<hbm>>) target(%dma_start3A_48 : memref<64x512xf32, #tpu.memory_space<vmem>>) offsets(%dma_start3A_50 : memref<64xi32, #tpu.memory_space<vmem>>) semaphore(%arg12 : memref<!tpu.dma_semaphore, #tpu.memory_space<semaphore_mem>>)
    %dma_wait3A = arith.constant 0 : i32
    %dma_wait3A_54 = arith.constant 0 : i32
    %dma_wait3A_55 = arith.constant 0 : i32
    %dma_wait3A_56 = tpu.memref_slice %arg9[%dma_wait3A, %dma_wait3A_54, %dma_wait3A_55] : memref<3x64x512xf32, #tpu.memory_space<vmem>> -> memref<1x64x512xf32, #tpu.memory_space<vmem>>
    %dma_wait3A_57 = tpu.memref_squeeze %dma_wait3A_56 : memref<1x64x512xf32, #tpu.memory_space<vmem>> -> memref<64x512xf32, #tpu.memory_space<vmem>>
    %dma_wait3A_58 = arith.constant 0 : i32
    %dma_wait3A_59 = tpu.memref_slice %arg8[%dma_wait3A_58] : memref<512xi32, #tpu.memory_space<vmem>> -> memref<64xi32, #tpu.memory_space<vmem>>
    %dma_wait3A_60 = arith.constant 0 : i32
    %dma_wait3A_61 = arith.constant 0 : i32
    %dma_wait3A_62 = tpu.memref_slice %arg2[%dma_wait3A_60, %dma_wait3A_61] : memref<16384x512xf32, #tpu.memory_space<hbm>> -> memref<16384x512xf32, #tpu.memory_space<hbm>>
    tpu.wait_indirect_dma semaphore(%arg12 : memref<!tpu.dma_semaphore, #tpu.memory_space<semaphore_mem>>) src(%dma_wait3A_62 : memref<16384x512xf32, #tpu.memory_space<hbm>>) dst(%dma_wait3A_57 : memref<64x512xf32, #tpu.memory_space<vmem>>)
    %add3A_63 = arith.constant 0 : i32
    %add3A_64 = arith.addi %mul3A_34, %add3A_63 : i32
    %dma_start3A_65 = arith.constant 0 : i32
    %dma_start3A_66 = arith.constant 0 : i32
    %dma_start3A_67 = arith.constant 0 : i32
    %dma_start3A_68 = tpu.memref_slice %arg9[%dma_start3A_65, %dma_start3A_66, %dma_start3A_67] : memref<3x64x512xf32, #tpu.memory_space<vmem>> -> memref<1x64x512xf32, #tpu.memory_space<vmem>>
    %dma_start3A_69 = tpu.memref_squeeze %dma_start3A_68 : memref<1x64x512xf32, #tpu.memory_space<vmem>> -> memref<64x512xf32, #tpu.memory_space<vmem>>
    %dma_start3A_70 = arith.constant 0 : i32
    %dma_start3A_71 = tpu.memref_slice %arg5[%select_n3A, %add3A_64, %dma_start3A_70] : memref<8x2048x512xf32, #tpu.memory_space<hbm>> -> memref<1x64x512xf32, #tpu.memory_space<hbm>>
    %dma_start3A_72 = tpu.memref_squeeze %dma_start3A_71 : memref<1x64x512xf32, #tpu.memory_space<hbm>> -> memref<64x512xf32, #tpu.memory_space<hbm>>
    %dma_start3A_73 = arith.constant 0 : i32
    %dma_start3A_74 = tpu.memref_slice %arg5[%select_n3A, %add3A_64, %dma_start3A_73] : memref<8x2048x512xf32, #tpu.memory_space<hbm>> -> memref<1x64x512xf32, #tpu.memory_space<hbm>>
    %dma_start3A_75 = tpu.memref_squeeze %dma_start3A_74 : memref<1x64x512xf32, #tpu.memory_space<hbm>> -> memref<64x512xf32, #tpu.memory_space<hbm>>
    %dma_start3A_76 = arith.constant 0 : i32
    %dma_start3A_77 = arith.constant 0 : i32
    %dma_start3A_78 = tpu.memref_slice %arg9[%dma_start3A_65, %dma_start3A_76, %dma_start3A_77] : memref<3x64x512xf32, #tpu.memory_space<vmem>> -> memref<1x64x512xf32, #tpu.memory_space<vmem>>
    %dma_start3A_79 = tpu.memref_squeeze %dma_start3A_78 : memref<1x64x512xf32, #tpu.memory_space<vmem>> -> memref<64x512xf32, #tpu.memory_space<vmem>>
    tpu.enqueue_dma source(%dma_start3A_79 : memref<64x512xf32, #tpu.memory_space<vmem>>) target(%dma_start3A_75 : memref<64x512xf32, #tpu.memory_space<hbm>>) target_semaphore(%arg13 : memref<!tpu.dma_semaphore, #tpu.memory_space<semaphore_mem>>)
    %dma_start3A_80 = arith.constant 2 : i32
    %dma_start3A_81 = arith.constant 0 : i32
    %dma_start3A_82 = arith.constant 0 : i32
    %dma_start3A_83 = tpu.memref_slice %arg9[%dma_start3A_80, %dma_start3A_81, %dma_start3A_82] : memref<3x64x512xf32, #tpu.memory_space<vmem>> -> memref<1x64x512xf32, #tpu.memory_space<vmem>>
    %dma_start3A_84 = tpu.memref_squeeze %dma_start3A_83 : memref<1x64x512xf32, #tpu.memory_space<vmem>> -> memref<64x512xf32, #tpu.memory_space<vmem>>
    %dma_start3A_85 = arith.constant 128 : i32
    %dma_start3A_86 = tpu.memref_slice %arg8[%dma_start3A_85] : memref<512xi32, #tpu.memory_space<vmem>> -> memref<64xi32, #tpu.memory_space<vmem>>
    %dma_start3A_87 = arith.constant 0 : i32
    %dma_start3A_88 = arith.constant 0 : i32
    %dma_start3A_89 = tpu.memref_slice %arg2[%dma_start3A_87, %dma_start3A_88] : memref<16384x512xf32, #tpu.memory_space<hbm>> -> memref<16384x512xf32, #tpu.memory_space<hbm>>
    tpu.enqueue_indirect_dma source(%dma_start3A_89 : memref<16384x512xf32, #tpu.memory_space<hbm>>) target(%dma_start3A_84 : memref<64x512xf32, #tpu.memory_space<vmem>>) offsets(%dma_start3A_86 : memref<64xi32, #tpu.memory_space<vmem>>) semaphore(%arg12 : memref<!tpu.dma_semaphore, #tpu.memory_space<semaphore_mem>>)
    %dma_wait3A_90 = arith.constant 1 : i32
    %dma_wait3A_91 = arith.constant 0 : i32
    %dma_wait3A_92 = arith.constant 0 : i32
    %dma_wait3A_93 = tpu.memref_slice %arg9[%dma_wait3A_90, %dma_wait3A_91, %dma_wait3A_92] : memref<3x64x512xf32, #tpu.memory_space<vmem>> -> memref<1x64x512xf32, #tpu.memory_space<vmem>>
    %dma_wait3A_94 = tpu.memref_squeeze %dma_wait3A_93 : memref<1x64x512xf32, #tpu.memory_space<vmem>> -> memref<64x512xf32, #tpu.memory_space<vmem>>
    %dma_wait3A_95 = arith.constant 64 : i32
    %dma_wait3A_96 = tpu.memref_slice %arg8[%dma_wait3A_95] : memref<512xi32, #tpu.memory_space<vmem>> -> memref<64xi32, #tpu.memory_space<vmem>>
    %dma_wait3A_97 = arith.constant 0 : i32
    %dma_wait3A_98 = arith.constant 0 : i32
    %dma_wait3A_99 = tpu.memref_slice %arg2[%dma_wait3A_97, %dma_wait3A_98] : memref<16384x512xf32, #tpu.memory_space<hbm>> -> memref<16384x512xf32, #tpu.memory_space<hbm>>
    tpu.wait_indirect_dma semaphore(%arg12 : memref<!tpu.dma_semaphore, #tpu.memory_space<semaphore_mem>>) src(%dma_wait3A_99 : memref<16384x512xf32, #tpu.memory_space<hbm>>) dst(%dma_wait3A_94 : memref<64x512xf32, #tpu.memory_space<vmem>>)
    %add3A_100 = arith.constant 64 : i32
    %add3A_101 = arith.addi %mul3A_34, %add3A_100 : i32
    %dma_start3A_102 = arith.constant 1 : i32
    %dma_start3A_103 = arith.constant 0 : i32
    %dma_start3A_104 = arith.constant 0 : i32
    %dma_start3A_105 = tpu.memref_slice %arg9[%dma_start3A_102, %dma_start3A_103, %dma_start3A_104] : memref<3x64x512xf32, #tpu.memory_space<vmem>> -> memref<1x64x512xf32, #tpu.memory_space<vmem>>
    %dma_start3A_106 = tpu.memref_squeeze %dma_start3A_105 : memref<1x64x512xf32, #tpu.memory_space<vmem>> -> memref<64x512xf32, #tpu.memory_space<vmem>>
    %dma_start3A_107 = arith.constant 0 : i32
    %dma_start3A_108 = tpu.memref_slice %arg5[%select_n3A, %add3A_101, %dma_start3A_107] : memref<8x2048x512xf32, #tpu.memory_space<hbm>> -> memref<1x64x512xf32, #tpu.memory_space<hbm>>
    %dma_start3A_109 = tpu.memref_squeeze %dma_start3A_108 : memref<1x64x512xf32, #tpu.memory_space<hbm>> -> memref<64x512xf32, #tpu.memory_space<hbm>>
    %dma_start3A_110 = arith.constant 0 : i32
    %dma_start3A_111 = tpu.memref_slice %arg5[%select_n3A, %add3A_101, %dma_start3A_110] : memref<8x2048x512xf32, #tpu.memory_space<hbm>> -> memref<1x64x512xf32, #tpu.memory_space<hbm>>
    %dma_start3A_112 = tpu.memref_squeeze %dma_start3A_111 : memref<1x64x512xf32, #tpu.memory_space<hbm>> -> memref<64x512xf32, #tpu.memory_space<hbm>>
    %dma_start3A_113 = arith.constant 0 : i32
    %dma_start3A_114 = arith.constant 0 : i32
    %dma_start3A_115 = tpu.memref_slice %arg9[%dma_start3A_102, %dma_start3A_113, %dma_start3A_114] : memref<3x64x512xf32, #tpu.memory_space<vmem>> -> memref<1x64x512xf32, #tpu.memory_space<vmem>>
    %dma_start3A_116 = tpu.memref_squeeze %dma_start3A_115 : memref<1x64x512xf32, #tpu.memory_space<vmem>> -> memref<64x512xf32, #tpu.memory_space<vmem>>
    tpu.enqueue_dma source(%dma_start3A_116 : memref<64x512xf32, #tpu.memory_space<vmem>>) target(%dma_start3A_112 : memref<64x512xf32, #tpu.memory_space<hbm>>) target_semaphore(%arg13 : memref<!tpu.dma_semaphore, #tpu.memory_space<semaphore_mem>>)
    %dma_wait3A_117 = arith.constant 0 : i32
    %dma_wait3A_118 = arith.constant 0 : i32
    %dma_wait3A_119 = arith.constant 0 : i32
    %dma_wait3A_120 = tpu.memref_slice %arg9[%dma_wait3A_117, %dma_wait3A_118, %dma_wait3A_119] : memref<3x64x512xf32, #tpu.memory_space<vmem>> -> memref<1x64x512xf32, #tpu.memory_space<vmem>>
    %dma_wait3A_121 = tpu.memref_squeeze %dma_wait3A_120 : memref<1x64x512xf32, #tpu.memory_space<vmem>> -> memref<64x512xf32, #tpu.memory_space<vmem>>
    %dma_wait3A_122 = arith.constant 0 : i32
    %dma_wait3A_123 = tpu.memref_slice %arg5[%select_n3A, %add3A_64, %dma_wait3A_122] : memref<8x2048x512xf32, #tpu.memory_space<hbm>> -> memref<1x64x512xf32, #tpu.memory_space<hbm>>
    %dma_wait3A_124 = tpu.memref_squeeze %dma_wait3A_123 : memref<1x64x512xf32, #tpu.memory_space<hbm>> -> memref<64x512xf32, #tpu.memory_space<hbm>>
    %dma_wait3A_125 = arith.constant 0 : i32
    %dma_wait3A_126 = tpu.memref_slice %arg5[%select_n3A, %add3A_64, %dma_wait3A_125] : memref<8x2048x512xf32, #tpu.memory_space<hbm>> -> memref<1x64x512xf32, #tpu.memory_space<hbm>>
    %dma_wait3A_127 = tpu.memref_squeeze %dma_wait3A_126 : memref<1x64x512xf32, #tpu.memory_space<hbm>> -> memref<64x512xf32, #tpu.memory_space<hbm>>
    %dma_wait3A_128 = arith.constant 0 : i32
    %dma_wait3A_129 = arith.constant 0 : i32
    %dma_wait3A_130 = tpu.memref_slice %arg9[%dma_wait3A_117, %dma_wait3A_128, %dma_wait3A_129] : memref<3x64x512xf32, #tpu.memory_space<vmem>> -> memref<1x64x512xf32, #tpu.memory_space<vmem>>
    %dma_wait3A_131 = tpu.memref_squeeze %dma_wait3A_130 : memref<1x64x512xf32, #tpu.memory_space<vmem>> -> memref<64x512xf32, #tpu.memory_space<vmem>>
    tpu.wait_dma2 semaphore(%arg13 : memref<!tpu.dma_semaphore, #tpu.memory_space<semaphore_mem>>) src(%dma_wait3A_131 : memref<64x512xf32, #tpu.memory_space<vmem>>) dst(%dma_wait3A_127 : memref<64x512xf32, #tpu.memory_space<hbm>>)
    %dma_start3A_132 = arith.constant 0 : i32
    %dma_start3A_133 = arith.constant 0 : i32
    %dma_start3A_134 = arith.constant 0 : i32
    %dma_start3A_135 = tpu.memref_slice %arg9[%dma_start3A_132, %dma_start3A_133, %dma_start3A_134] : memref<3x64x512xf32, #tpu.memory_space<vmem>> -> memref<1x64x512xf32, #tpu.memory_space<vmem>>
    %dma_start3A_136 = tpu.memref_squeeze %dma_start3A_135 : memref<1x64x512xf32, #tpu.memory_space<vmem>> -> memref<64x512xf32, #tpu.memory_space<vmem>>
    %dma_start3A_137 = arith.constant 192 : i32
    %dma_start3A_138 = tpu.memref_slice %arg8[%dma_start3A_137] : memref<512xi32, #tpu.memory_space<vmem>> -> memref<64xi32, #tpu.memory_space<vmem>>
    %dma_start3A_139 = arith.constant 0 : i32
    %dma_start3A_140 = arith.constant 0 : i32
    %dma_start3A_141 = tpu.memref_slice %arg2[%dma_start3A_139, %dma_start3A_140] : memref<16384x512xf32, #tpu.memory_space<hbm>> -> memref<16384x512xf32, #tpu.memory_space<hbm>>
    tpu.enqueue_indirect_dma source(%dma_start3A_141 : memref<16384x512xf32, #tpu.memory_space<hbm>>) target(%dma_start3A_136 : memref<64x512xf32, #tpu.memory_space<vmem>>) offsets(%dma_start3A_138 : memref<64xi32, #tpu.memory_space<vmem>>) semaphore(%arg12 : memref<!tpu.dma_semaphore, #tpu.memory_space<semaphore_mem>>)
    %dma_wait3A_142 = arith.constant 2 : i32
    %dma_wait3A_143 = arith.constant 0 : i32
    %dma_wait3A_144 = arith.constant 0 : i32
    %dma_wait3A_145 = tpu.memref_slice %arg9[%dma_wait3A_142, %dma_wait3A_143, %dma_wait3A_144] : memref<3x64x512xf32, #tpu.memory_space<vmem>> -> memref<1x64x512xf32, #tpu.memory_space<vmem>>
    %dma_wait3A_146 = tpu.memref_squeeze %dma_wait3A_145 : memref<1x64x512xf32, #tpu.memory_space<vmem>> -> memref<64x512xf32, #tpu.memory_space<vmem>>
    %dma_wait3A_147 = arith.constant 128 : i32
    %dma_wait3A_148 = tpu.memref_slice %arg8[%dma_wait3A_147] : memref<512xi32, #tpu.memory_space<vmem>> -> memref<64xi32, #tpu.memory_space<vmem>>
    %dma_wait3A_149 = arith.constant 0 : i32
    %dma_wait3A_150 = arith.constant 0 : i32
    %dma_wait3A_151 = tpu.memref_slice %arg2[%dma_wait3A_149, %dma_wait3A_150] : memref<16384x512xf32, #tpu.memory_space<hbm>> -> memref<16384x512xf32, #tpu.memory_space<hbm>>
    tpu.wait_indirect_dma semaphore(%arg12 : memref<!tpu.dma_semaphore, #tpu.memory_space<semaphore_mem>>) src(%dma_wait3A_151 : memref<16384x512xf32, #tpu.memory_space<hbm>>) dst(%dma_wait3A_146 : memref<64x512xf32, #tpu.memory_space<vmem>>)
    %add3A_152 = arith.constant 128 : i32
    %add3A_153 = arith.addi %mul3A_34, %add3A_152 : i32
    %dma_start3A_154 = arith.constant 2 : i32
    %dma_start3A_155 = arith.constant 0 : i32
    %dma_start3A_156 = arith.constant 0 : i32
    %dma_start3A_157 = tpu.memref_slice %arg9[%dma_start3A_154, %dma_start3A_155, %dma_start3A_156] : memref<3x64x512xf32, #tpu.memory_space<vmem>> -> memref<1x64x512xf32, #tpu.memory_space<vmem>>
    %dma_start3A_158 = tpu.memref_squeeze %dma_start3A_157 : memref<1x64x512xf32, #tpu.memory_space<vmem>> -> memref<64x512xf32, #tpu.memory_space<vmem>>
    %dma_start3A_159 = arith.constant 0 : i32
    %dma_start3A_160 = tpu.memref_slice %arg5[%select_n3A, %add3A_153, %dma_start3A_159] : memref<8x2048x512xf32, #tpu.memory_space<hbm>> -> memref<1x64x512xf32, #tpu.memory_space<hbm>>
    %dma_start3A_161 = tpu.memref_squeeze %dma_start3A_160 : memref<1x64x512xf32, #tpu.memory_space<hbm>> -> memref<64x512xf32, #tpu.memory_space<hbm>>
    %dma_start3A_162 = arith.constant 0 : i32
    %dma_start3A_163 = tpu.memref_slice %arg5[%select_n3A, %add3A_153, %dma_start3A_162] : memref<8x2048x512xf32, #tpu.memory_space<hbm>> -> memref<1x64x512xf32, #tpu.memory_space<hbm>>
    %dma_start3A_164 = tpu.memref_squeeze %dma_start3A_163 : memref<1x64x512xf32, #tpu.memory_space<hbm>> -> memref<64x512xf32, #tpu.memory_space<hbm>>
    %dma_start3A_165 = arith.constant 0 : i32
    %dma_start3A_166 = arith.constant 0 : i32
    %dma_start3A_167 = tpu.memref_slice %arg9[%dma_start3A_154, %dma_start3A_165, %dma_start3A_166] : memref<3x64x512xf32, #tpu.memory_space<vmem>> -> memref<1x64x512xf32, #tpu.memory_space<vmem>>
    %dma_start3A_168 = tpu.memref_squeeze %dma_start3A_167 : memref<1x64x512xf32, #tpu.memory_space<vmem>> -> memref<64x512xf32, #tpu.memory_space<vmem>>
    tpu.enqueue_dma source(%dma_start3A_168 : memref<64x512xf32, #tpu.memory_space<vmem>>) target(%dma_start3A_164 : memref<64x512xf32, #tpu.memory_space<hbm>>) target_semaphore(%arg13 : memref<!tpu.dma_semaphore, #tpu.memory_space<semaphore_mem>>)
    %dma_wait3A_169 = arith.constant 1 : i32
    %dma_wait3A_170 = arith.constant 0 : i32
    %dma_wait3A_171 = arith.constant 0 : i32
    %dma_wait3A_172 = tpu.memref_slice %arg9[%dma_wait3A_169, %dma_wait3A_170, %dma_wait3A_171] : memref<3x64x512xf32, #tpu.memory_space<vmem>> -> memref<1x64x512xf32, #tpu.memory_space<vmem>>
    %dma_wait3A_173 = tpu.memref_squeeze %dma_wait3A_172 : memref<1x64x512xf32, #tpu.memory_space<vmem>> -> memref<64x512xf32, #tpu.memory_space<vmem>>
    %dma_wait3A_174 = arith.constant 0 : i32
    %dma_wait3A_175 = tpu.memref_slice %arg5[%select_n3A, %add3A_101, %dma_wait3A_174] : memref<8x2048x512xf32, #tpu.memory_space<hbm>> -> memref<1x64x512xf32, #tpu.memory_space<hbm>>
    %dma_wait3A_176 = tpu.memref_squeeze %dma_wait3A_175 : memref<1x64x512xf32, #tpu.memory_space<hbm>> -> memref<64x512xf32, #tpu.memory_space<hbm>>
    %dma_wait3A_177 = arith.constant 0 : i32
    %dma_wait3A_178 = tpu.memref_slice %arg5[%select_n3A, %add3A_101, %dma_wait3A_177] : memref<8x2048x512xf32, #tpu.memory_space<hbm>> -> memref<1x64x512xf32, #tpu.memory_space<hbm>>
    %dma_wait3A_179 = tpu.memref_squeeze %dma_wait3A_178 : memref<1x64x512xf32, #tpu.memory_space<hbm>> -> memref<64x512xf32, #tpu.memory_space<hbm>>
    %dma_wait3A_180 = arith.constant 0 : i32
    %dma_wait3A_181 = arith.constant 0 : i32
    %dma_wait3A_182 = tpu.memref_slice %arg9[%dma_wait3A_169, %dma_wait3A_180, %dma_wait3A_181] : memref<3x64x512xf32, #tpu.memory_space<vmem>> -> memref<1x64x512xf32, #tpu.memory_space<vmem>>
    %dma_wait3A_183 = tpu.memref_squeeze %dma_wait3A_182 : memref<1x64x512xf32, #tpu.memory_space<vmem>> -> memref<64x512xf32, #tpu.memory_space<vmem>>
    tpu.wait_dma2 semaphore(%arg13 : memref<!tpu.dma_semaphore, #tpu.memory_space<semaphore_mem>>) src(%dma_wait3A_183 : memref<64x512xf32, #tpu.memory_space<vmem>>) dst(%dma_wait3A_179 : memref<64x512xf32, #tpu.memory_space<hbm>>)
    %dma_start3A_184 = arith.constant 1 : i32
    %dma_start3A_185 = arith.constant 0 : i32
    %dma_start3A_186 = arith.constant 0 : i32
    %dma_start3A_187 = tpu.memref_slice %arg9[%dma_start3A_184, %dma_start3A_185, %dma_start3A_186] : memref<3x64x512xf32, #tpu.memory_space<vmem>> -> memref<1x64x512xf32, #tpu.memory_space<vmem>>
    %dma_start3A_188 = tpu.memref_squeeze %dma_start3A_187 : memref<1x64x512xf32, #tpu.memory_space<vmem>> -> memref<64x512xf32, #tpu.memory_space<vmem>>
    %dma_start3A_189 = arith.constant 256 : i32
    %dma_start3A_190 = tpu.memref_slice %arg8[%dma_start3A_189] : memref<512xi32, #tpu.memory_space<vmem>> -> memref<64xi32, #tpu.memory_space<vmem>>
    %dma_start3A_191 = arith.constant 0 : i32
    %dma_start3A_192 = arith.constant 0 : i32
    %dma_start3A_193 = tpu.memref_slice %arg2[%dma_start3A_191, %dma_start3A_192] : memref<16384x512xf32, #tpu.memory_space<hbm>> -> memref<16384x512xf32, #tpu.memory_space<hbm>>
    tpu.enqueue_indirect_dma source(%dma_start3A_193 : memref<16384x512xf32, #tpu.memory_space<hbm>>) target(%dma_start3A_188 : memref<64x512xf32, #tpu.memory_space<vmem>>) offsets(%dma_start3A_190 : memref<64xi32, #tpu.memory_space<vmem>>) semaphore(%arg12 : memref<!tpu.dma_semaphore, #tpu.memory_space<semaphore_mem>>)
    %dma_wait3A_194 = arith.constant 0 : i32
    %dma_wait3A_195 = arith.constant 0 : i32
    %dma_wait3A_196 = arith.constant 0 : i32
    %dma_wait3A_197 = tpu.memref_slice %arg9[%dma_wait3A_194, %dma_wait3A_195, %dma_wait3A_196] : memref<3x64x512xf32, #tpu.memory_space<vmem>> -> memref<1x64x512xf32, #tpu.memory_space<vmem>>
    %dma_wait3A_198 = tpu.memref_squeeze %dma_wait3A_197 : memref<1x64x512xf32, #tpu.memory_space<vmem>> -> memref<64x512xf32, #tpu.memory_space<vmem>>
    %dma_wait3A_199 = arith.constant 192 : i32
    %dma_wait3A_200 = tpu.memref_slice %arg8[%dma_wait3A_199] : memref<512xi32, #tpu.memory_space<vmem>> -> memref<64xi32, #tpu.memory_space<vmem>>
    %dma_wait3A_201 = arith.constant 0 : i32
    %dma_wait3A_202 = arith.constant 0 : i32
    %dma_wait3A_203 = tpu.memref_slice %arg2[%dma_wait3A_201, %dma_wait3A_202] : memref<16384x512xf32, #tpu.memory_space<hbm>> -> memref<16384x512xf32, #tpu.memory_space<hbm>>
    tpu.wait_indirect_dma semaphore(%arg12 : memref<!tpu.dma_semaphore, #tpu.memory_space<semaphore_mem>>) src(%dma_wait3A_203 : memref<16384x512xf32, #tpu.memory_space<hbm>>) dst(%dma_wait3A_198 : memref<64x512xf32, #tpu.memory_space<vmem>>)
    %add3A_204 = arith.constant 192 : i32
    %add3A_205 = arith.addi %mul3A_34, %add3A_204 : i32
    %dma_start3A_206 = arith.constant 0 : i32
    %dma_start3A_207 = arith.constant 0 : i32
    %dma_start3A_208 = arith.constant 0 : i32
    %dma_start3A_209 = tpu.memref_slice %arg9[%dma_start3A_206, %dma_start3A_207, %dma_start3A_208] : memref<3x64x512xf32, #tpu.memory_space<vmem>> -> memref<1x64x512xf32, #tpu.memory_space<vmem>>
    %dma_start3A_210 = tpu.memref_squeeze %dma_start3A_209 : memref<1x64x512xf32, #tpu.memory_space<vmem>> -> memref<64x512xf32, #tpu.memory_space<vmem>>
    %dma_start3A_211 = arith.constant 0 : i32
    %dma_start3A_212 = tpu.memref_slice %arg5[%select_n3A, %add3A_205, %dma_start3A_211] : memref<8x2048x512xf32, #tpu.memory_space<hbm>> -> memref<1x64x512xf32, #tpu.memory_space<hbm>>
    %dma_start3A_213 = tpu.memref_squeeze %dma_start3A_212 : memref<1x64x512xf32, #tpu.memory_space<hbm>> -> memref<64x512xf32, #tpu.memory_space<hbm>>
    %dma_start3A_214 = arith.constant 0 : i32
    %dma_start3A_215 = tpu.memref_slice %arg5[%select_n3A, %add3A_205, %dma_start3A_214] : memref<8x2048x512xf32, #tpu.memory_space<hbm>> -> memref<1x64x512xf32, #tpu.memory_space<hbm>>
    %dma_start3A_216 = tpu.memref_squeeze %dma_start3A_215 : memref<1x64x512xf32, #tpu.memory_space<hbm>> -> memref<64x512xf32, #tpu.memory_space<hbm>>
    %dma_start3A_217 = arith.constant 0 : i32
    %dma_start3A_218 = arith.constant 0 : i32
    %dma_start3A_219 = tpu.memref_slice %arg9[%dma_start3A_206, %dma_start3A_217, %dma_start3A_218] : memref<3x64x512xf32, #tpu.memory_space<vmem>> -> memref<1x64x512xf32, #tpu.memory_space<vmem>>
    %dma_start3A_220 = tpu.memref_squeeze %dma_start3A_219 : memref<1x64x512xf32, #tpu.memory_space<vmem>> -> memref<64x512xf32, #tpu.memory_space<vmem>>
    tpu.enqueue_dma source(%dma_start3A_220 : memref<64x512xf32, #tpu.memory_space<vmem>>) target(%dma_start3A_216 : memref<64x512xf32, #tpu.memory_space<hbm>>) target_semaphore(%arg13 : memref<!tpu.dma_semaphore, #tpu.memory_space<semaphore_mem>>)
    %dma_wait3A_221 = arith.constant 2 : i32
    %dma_wait3A_222 = arith.constant 0 : i32
    %dma_wait3A_223 = arith.constant 0 : i32
    %dma_wait3A_224 = tpu.memref_slice %arg9[%dma_wait3A_221, %dma_wait3A_222, %dma_wait3A_223] : memref<3x64x512xf32, #tpu.memory_space<vmem>> -> memref<1x64x512xf32, #tpu.memory_space<vmem>>
    %dma_wait3A_225 = tpu.memref_squeeze %dma_wait3A_224 : memref<1x64x512xf32, #tpu.memory_space<vmem>> -> memref<64x512xf32, #tpu.memory_space<vmem>>
    %dma_wait3A_226 = arith.constant 0 : i32
    %dma_wait3A_227 = tpu.memref_slice %arg5[%select_n3A, %add3A_153, %dma_wait3A_226] : memref<8x2048x512xf32, #tpu.memory_space<hbm>> -> memref<1x64x512xf32, #tpu.memory_space<hbm>>
    %dma_wait3A_228 = tpu.memref_squeeze %dma_wait3A_227 : memref<1x64x512xf32, #tpu.memory_space<hbm>> -> memref<64x512xf32, #tpu.memory_space<hbm>>
    %dma_wait3A_229 = arith.constant 0 : i32
    %dma_wait3A_230 = tpu.memref_slice %arg5[%select_n3A, %add3A_153, %dma_wait3A_229] : memref<8x2048x512xf32, #tpu.memory_space<hbm>> -> memref<1x64x512xf32, #tpu.memory_space<hbm>>
    %dma_wait3A_231 = tpu.memref_squeeze %dma_wait3A_230 : memref<1x64x512xf32, #tpu.memory_space<hbm>> -> memref<64x512xf32, #tpu.memory_space<hbm>>
    %dma_wait3A_232 = arith.constant 0 : i32
    %dma_wait3A_233 = arith.constant 0 : i32
    %dma_wait3A_234 = tpu.memref_slice %arg9[%dma_wait3A_221, %dma_wait3A_232, %dma_wait3A_233] : memref<3x64x512xf32, #tpu.memory_space<vmem>> -> memref<1x64x512xf32, #tpu.memory_space<vmem>>
    %dma_wait3A_235 = tpu.memref_squeeze %dma_wait3A_234 : memref<1x64x512xf32, #tpu.memory_space<vmem>> -> memref<64x512xf32, #tpu.memory_space<vmem>>
    tpu.wait_dma2 semaphore(%arg13 : memref<!tpu.dma_semaphore, #tpu.memory_space<semaphore_mem>>) src(%dma_wait3A_235 : memref<64x512xf32, #tpu.memory_space<vmem>>) dst(%dma_wait3A_231 : memref<64x512xf32, #tpu.memory_space<hbm>>)
    %dma_start3A_236 = arith.constant 2 : i32
    %dma_start3A_237 = arith.constant 0 : i32
    %dma_start3A_238 = arith.constant 0 : i32
    %dma_start3A_239 = tpu.memref_slice %arg9[%dma_start3A_236, %dma_start3A_237, %dma_start3A_238] : memref<3x64x512xf32, #tpu.memory_space<vmem>> -> memref<1x64x512xf32, #tpu.memory_space<vmem>>
    %dma_start3A_240 = tpu.memref_squeeze %dma_start3A_239 : memref<1x64x512xf32, #tpu.memory_space<vmem>> -> memref<64x512xf32, #tpu.memory_space<vmem>>
    %dma_start3A_241 = arith.constant 320 : i32
    %dma_start3A_242 = tpu.memref_slice %arg8[%dma_start3A_241] : memref<512xi32, #tpu.memory_space<vmem>> -> memref<64xi32, #tpu.memory_space<vmem>>
    %dma_start3A_243 = arith.constant 0 : i32
    %dma_start3A_244 = arith.constant 0 : i32
    %dma_start3A_245 = tpu.memref_slice %arg2[%dma_start3A_243, %dma_start3A_244] : memref<16384x512xf32, #tpu.memory_space<hbm>> -> memref<16384x512xf32, #tpu.memory_space<hbm>>
    tpu.enqueue_indirect_dma source(%dma_start3A_245 : memref<16384x512xf32, #tpu.memory_space<hbm>>) target(%dma_start3A_240 : memref<64x512xf32, #tpu.memory_space<vmem>>) offsets(%dma_start3A_242 : memref<64xi32, #tpu.memory_space<vmem>>) semaphore(%arg12 : memref<!tpu.dma_semaphore, #tpu.memory_space<semaphore_mem>>)
    %dma_wait3A_246 = arith.constant 1 : i32
    %dma_wait3A_247 = arith.constant 0 : i32
    %dma_wait3A_248 = arith.constant 0 : i32
    %dma_wait3A_249 = tpu.memref_slice %arg9[%dma_wait3A_246, %dma_wait3A_247, %dma_wait3A_248] : memref<3x64x512xf32, #tpu.memory_space<vmem>> -> memref<1x64x512xf32, #tpu.memory_space<vmem>>
    %dma_wait3A_250 = tpu.memref_squeeze %dma_wait3A_249 : memref<1x64x512xf32, #tpu.memory_space<vmem>> -> memref<64x512xf32, #tpu.memory_space<vmem>>
    %dma_wait3A_251 = arith.constant 256 : i32
    %dma_wait3A_252 = tpu.memref_slice %arg8[%dma_wait3A_251] : memref<512xi32, #tpu.memory_space<vmem>> -> memref<64xi32, #tpu.memory_space<vmem>>
    %dma_wait3A_253 = arith.constant 0 : i32
    %dma_wait3A_254 = arith.constant 0 : i32
    %dma_wait3A_255 = tpu.memref_slice %arg2[%dma_wait3A_253, %dma_wait3A_254] : memref<16384x512xf32, #tpu.memory_space<hbm>> -> memref<16384x512xf32, #tpu.memory_space<hbm>>
    tpu.wait_indirect_dma semaphore(%arg12 : memref<!tpu.dma_semaphore, #tpu.memory_space<semaphore_mem>>) src(%dma_wait3A_255 : memref<16384x512xf32, #tpu.memory_space<hbm>>) dst(%dma_wait3A_250 : memref<64x512xf32, #tpu.memory_space<vmem>>)
    %add3A_256 = arith.constant 256 : i32
    %add3A_257 = arith.addi %mul3A_34, %add3A_256 : i32
    %dma_start3A_258 = arith.constant 1 : i32
    %dma_start3A_259 = arith.constant 0 : i32
    %dma_start3A_260 = arith.constant 0 : i32
    %dma_start3A_261 = tpu.memref_slice %arg9[%dma_start3A_258, %dma_start3A_259, %dma_start3A_260] : memref<3x64x512xf32, #tpu.memory_space<vmem>> -> memref<1x64x512xf32, #tpu.memory_space<vmem>>
    %dma_start3A_262 = tpu.memref_squeeze %dma_start3A_261 : memref<1x64x512xf32, #tpu.memory_space<vmem>> -> memref<64x512xf32, #tpu.memory_space<vmem>>
    %dma_start3A_263 = arith.constant 0 : i32
    %dma_start3A_264 = tpu.memref_slice %arg5[%select_n3A, %add3A_257, %dma_start3A_263] : memref<8x2048x512xf32, #tpu.memory_space<hbm>> -> memref<1x64x512xf32, #tpu.memory_space<hbm>>
    %dma_start3A_265 = tpu.memref_squeeze %dma_start3A_264 : memref<1x64x512xf32, #tpu.memory_space<hbm>> -> memref<64x512xf32, #tpu.memory_space<hbm>>
    %dma_start3A_266 = arith.constant 0 : i32
    %dma_start3A_267 = tpu.memref_slice %arg5[%select_n3A, %add3A_257, %dma_start3A_266] : memref<8x2048x512xf32, #tpu.memory_space<hbm>> -> memref<1x64x512xf32, #tpu.memory_space<hbm>>
    %dma_start3A_268 = tpu.memref_squeeze %dma_start3A_267 : memref<1x64x512xf32, #tpu.memory_space<hbm>> -> memref<64x512xf32, #tpu.memory_space<hbm>>
    %dma_start3A_269 = arith.constant 0 : i32
    %dma_start3A_270 = arith.constant 0 : i32
    %dma_start3A_271 = tpu.memref_slice %arg9[%dma_start3A_258, %dma_start3A_269, %dma_start3A_270] : memref<3x64x512xf32, #tpu.memory_space<vmem>> -> memref<1x64x512xf32, #tpu.memory_space<vmem>>
    %dma_start3A_272 = tpu.memref_squeeze %dma_start3A_271 : memref<1x64x512xf32, #tpu.memory_space<vmem>> -> memref<64x512xf32, #tpu.memory_space<vmem>>
    tpu.enqueue_dma source(%dma_start3A_272 : memref<64x512xf32, #tpu.memory_space<vmem>>) target(%dma_start3A_268 : memref<64x512xf32, #tpu.memory_space<hbm>>) target_semaphore(%arg13 : memref<!tpu.dma_semaphore, #tpu.memory_space<semaphore_mem>>)
    %dma_wait3A_273 = arith.constant 0 : i32
    %dma_wait3A_274 = arith.constant 0 : i32
    %dma_wait3A_275 = arith.constant 0 : i32
    %dma_wait3A_276 = tpu.memref_slice %arg9[%dma_wait3A_273, %dma_wait3A_274, %dma_wait3A_275] : memref<3x64x512xf32, #tpu.memory_space<vmem>> -> memref<1x64x512xf32, #tpu.memory_space<vmem>>
    %dma_wait3A_277 = tpu.memref_squeeze %dma_wait3A_276 : memref<1x64x512xf32, #tpu.memory_space<vmem>> -> memref<64x512xf32, #tpu.memory_space<vmem>>
    %dma_wait3A_278 = arith.constant 0 : i32
    %dma_wait3A_279 = tpu.memref_slice %arg5[%select_n3A, %add3A_205, %dma_wait3A_278] : memref<8x2048x512xf32, #tpu.memory_space<hbm>> -> memref<1x64x512xf32, #tpu.memory_space<hbm>>
    %dma_wait3A_280 = tpu.memref_squeeze %dma_wait3A_279 : memref<1x64x512xf32, #tpu.memory_space<hbm>> -> memref<64x512xf32, #tpu.memory_space<hbm>>
    %dma_wait3A_281 = arith.constant 0 : i32
    %dma_wait3A_282 = tpu.memref_slice %arg5[%select_n3A, %add3A_205, %dma_wait3A_281] : memref<8x2048x512xf32, #tpu.memory_space<hbm>> -> memref<1x64x512xf32, #tpu.memory_space<hbm>>
    %dma_wait3A_283 = tpu.memref_squeeze %dma_wait3A_282 : memref<1x64x512xf32, #tpu.memory_space<hbm>> -> memref<64x512xf32, #tpu.memory_space<hbm>>
    %dma_wait3A_284 = arith.constant 0 : i32
    %dma_wait3A_285 = arith.constant 0 : i32
    %dma_wait3A_286 = tpu.memref_slice %arg9[%dma_wait3A_273, %dma_wait3A_284, %dma_wait3A_285] : memref<3x64x512xf32, #tpu.memory_space<vmem>> -> memref<1x64x512xf32, #tpu.memory_space<vmem>>
    %dma_wait3A_287 = tpu.memref_squeeze %dma_wait3A_286 : memref<1x64x512xf32, #tpu.memory_space<vmem>> -> memref<64x512xf32, #tpu.memory_space<vmem>>
    tpu.wait_dma2 semaphore(%arg13 : memref<!tpu.dma_semaphore, #tpu.memory_space<semaphore_mem>>) src(%dma_wait3A_287 : memref<64x512xf32, #tpu.memory_space<vmem>>) dst(%dma_wait3A_283 : memref<64x512xf32, #tpu.memory_space<hbm>>)
    %dma_start3A_288 = arith.constant 0 : i32
    %dma_start3A_289 = arith.constant 0 : i32
    %dma_start3A_290 = arith.constant 0 : i32
    %dma_start3A_291 = tpu.memref_slice %arg9[%dma_start3A_288, %dma_start3A_289, %dma_start3A_290] : memref<3x64x512xf32, #tpu.memory_space<vmem>> -> memref<1x64x512xf32, #tpu.memory_space<vmem>>
    %dma_start3A_292 = tpu.memref_squeeze %dma_start3A_291 : memref<1x64x512xf32, #tpu.memory_space<vmem>> -> memref<64x512xf32, #tpu.memory_space<vmem>>
    %dma_start3A_293 = arith.constant 384 : i32
    %dma_start3A_294 = tpu.memref_slice %arg8[%dma_start3A_293] : memref<512xi32, #tpu.memory_space<vmem>> -> memref<64xi32, #tpu.memory_space<vmem>>
    %dma_start3A_295 = arith.constant 0 : i32
    %dma_start3A_296 = arith.constant 0 : i32
    %dma_start3A_297 = tpu.memref_slice %arg2[%dma_start3A_295, %dma_start3A_296] : memref<16384x512xf32, #tpu.memory_space<hbm>> -> memref<16384x512xf32, #tpu.memory_space<hbm>>
    tpu.enqueue_indirect_dma source(%dma_start3A_297 : memref<16384x512xf32, #tpu.memory_space<hbm>>) target(%dma_start3A_292 : memref<64x512xf32, #tpu.memory_space<vmem>>) offsets(%dma_start3A_294 : memref<64xi32, #tpu.memory_space<vmem>>) semaphore(%arg12 : memref<!tpu.dma_semaphore, #tpu.memory_space<semaphore_mem>>)
    %dma_wait3A_298 = arith.constant 2 : i32
    %dma_wait3A_299 = arith.constant 0 : i32
    %dma_wait3A_300 = arith.constant 0 : i32
    %dma_wait3A_301 = tpu.memref_slice %arg9[%dma_wait3A_298, %dma_wait3A_299, %dma_wait3A_300] : memref<3x64x512xf32, #tpu.memory_space<vmem>> -> memref<1x64x512xf32, #tpu.memory_space<vmem>>
    %dma_wait3A_302 = tpu.memref_squeeze %dma_wait3A_301 : memref<1x64x512xf32, #tpu.memory_space<vmem>> -> memref<64x512xf32, #tpu.memory_space<vmem>>
    %dma_wait3A_303 = arith.constant 320 : i32
    %dma_wait3A_304 = tpu.memref_slice %arg8[%dma_wait3A_303] : memref<512xi32, #tpu.memory_space<vmem>> -> memref<64xi32, #tpu.memory_space<vmem>>
    %dma_wait3A_305 = arith.constant 0 : i32
    %dma_wait3A_306 = arith.constant 0 : i32
    %dma_wait3A_307 = tpu.memref_slice %arg2[%dma_wait3A_305, %dma_wait3A_306] : memref<16384x512xf32, #tpu.memory_space<hbm>> -> memref<16384x512xf32, #tpu.memory_space<hbm>>
    tpu.wait_indirect_dma semaphore(%arg12 : memref<!tpu.dma_semaphore, #tpu.memory_space<semaphore_mem>>) src(%dma_wait3A_307 : memref<16384x512xf32, #tpu.memory_space<hbm>>) dst(%dma_wait3A_302 : memref<64x512xf32, #tpu.memory_space<vmem>>)
    %add3A_308 = arith.constant 320 : i32
    %add3A_309 = arith.addi %mul3A_34, %add3A_308 : i32
    %dma_start3A_310 = arith.constant 2 : i32
    %dma_start3A_311 = arith.constant 0 : i32
    %dma_start3A_312 = arith.constant 0 : i32
    %dma_start3A_313 = tpu.memref_slice %arg9[%dma_start3A_310, %dma_start3A_311, %dma_start3A_312] : memref<3x64x512xf32, #tpu.memory_space<vmem>> -> memref<1x64x512xf32, #tpu.memory_space<vmem>>
    %dma_start3A_314 = tpu.memref_squeeze %dma_start3A_313 : memref<1x64x512xf32, #tpu.memory_space<vmem>> -> memref<64x512xf32, #tpu.memory_space<vmem>>
    %dma_start3A_315 = arith.constant 0 : i32
    %dma_start3A_316 = tpu.memref_slice %arg5[%select_n3A, %add3A_309, %dma_start3A_315] : memref<8x2048x512xf32, #tpu.memory_space<hbm>> -> memref<1x64x512xf32, #tpu.memory_space<hbm>>
    %dma_start3A_317 = tpu.memref_squeeze %dma_start3A_316 : memref<1x64x512xf32, #tpu.memory_space<hbm>> -> memref<64x512xf32, #tpu.memory_space<hbm>>
    %dma_start3A_318 = arith.constant 0 : i32
    %dma_start3A_319 = tpu.memref_slice %arg5[%select_n3A, %add3A_309, %dma_start3A_318] : memref<8x2048x512xf32, #tpu.memory_space<hbm>> -> memref<1x64x512xf32, #tpu.memory_space<hbm>>
    %dma_start3A_320 = tpu.memref_squeeze %dma_start3A_319 : memref<1x64x512xf32, #tpu.memory_space<hbm>> -> memref<64x512xf32, #tpu.memory_space<hbm>>
    %dma_start3A_321 = arith.constant 0 : i32
    %dma_start3A_322 = arith.constant 0 : i32
    %dma_start3A_323 = tpu.memref_slice %arg9[%dma_start3A_310, %dma_start3A_321, %dma_start3A_322] : memref<3x64x512xf32, #tpu.memory_space<vmem>> -> memref<1x64x512xf32, #tpu.memory_space<vmem>>
    %dma_start3A_324 = tpu.memref_squeeze %dma_start3A_323 : memref<1x64x512xf32, #tpu.memory_space<vmem>> -> memref<64x512xf32, #tpu.memory_space<vmem>>
    tpu.enqueue_dma source(%dma_start3A_324 : memref<64x512xf32, #tpu.memory_space<vmem>>) target(%dma_start3A_320 : memref<64x512xf32, #tpu.memory_space<hbm>>) target_semaphore(%arg13 : memref<!tpu.dma_semaphore, #tpu.memory_space<semaphore_mem>>)
    %dma_wait3A_325 = arith.constant 1 : i32
    %dma_wait3A_326 = arith.constant 0 : i32
    %dma_wait3A_327 = arith.constant 0 : i32
    %dma_wait3A_328 = tpu.memref_slice %arg9[%dma_wait3A_325, %dma_wait3A_326, %dma_wait3A_327] : memref<3x64x512xf32, #tpu.memory_space<vmem>> -> memref<1x64x512xf32, #tpu.memory_space<vmem>>
    %dma_wait3A_329 = tpu.memref_squeeze %dma_wait3A_328 : memref<1x64x512xf32, #tpu.memory_space<vmem>> -> memref<64x512xf32, #tpu.memory_space<vmem>>
    %dma_wait3A_330 = arith.constant 0 : i32
    %dma_wait3A_331 = tpu.memref_slice %arg5[%select_n3A, %add3A_257, %dma_wait3A_330] : memref<8x2048x512xf32, #tpu.memory_space<hbm>> -> memref<1x64x512xf32, #tpu.memory_space<hbm>>
    %dma_wait3A_332 = tpu.memref_squeeze %dma_wait3A_331 : memref<1x64x512xf32, #tpu.memory_space<hbm>> -> memref<64x512xf32, #tpu.memory_space<hbm>>
    %dma_wait3A_333 = arith.constant 0 : i32
    %dma_wait3A_334 = tpu.memref_slice %arg5[%select_n3A, %add3A_257, %dma_wait3A_333] : memref<8x2048x512xf32, #tpu.memory_space<hbm>> -> memref<1x64x512xf32, #tpu.memory_space<hbm>>
    %dma_wait3A_335 = tpu.memref_squeeze %dma_wait3A_334 : memref<1x64x512xf32, #tpu.memory_space<hbm>> -> memref<64x512xf32, #tpu.memory_space<hbm>>
    %dma_wait3A_336 = arith.constant 0 : i32
    %dma_wait3A_337 = arith.constant 0 : i32
    %dma_wait3A_338 = tpu.memref_slice %arg9[%dma_wait3A_325, %dma_wait3A_336, %dma_wait3A_337] : memref<3x64x512xf32, #tpu.memory_space<vmem>> -> memref<1x64x512xf32, #tpu.memory_space<vmem>>
    %dma_wait3A_339 = tpu.memref_squeeze %dma_wait3A_338 : memref<1x64x512xf32, #tpu.memory_space<vmem>> -> memref<64x512xf32, #tpu.memory_space<vmem>>
    tpu.wait_dma2 semaphore(%arg13 : memref<!tpu.dma_semaphore, #tpu.memory_space<semaphore_mem>>) src(%dma_wait3A_339 : memref<64x512xf32, #tpu.memory_space<vmem>>) dst(%dma_wait3A_335 : memref<64x512xf32, #tpu.memory_space<hbm>>)
    %dma_start3A_340 = arith.constant 1 : i32
    %dma_start3A_341 = arith.constant 0 : i32
    %dma_start3A_342 = arith.constant 0 : i32
    %dma_start3A_343 = tpu.memref_slice %arg9[%dma_start3A_340, %dma_start3A_341, %dma_start3A_342] : memref<3x64x512xf32, #tpu.memory_space<vmem>> -> memref<1x64x512xf32, #tpu.memory_space<vmem>>
    %dma_start3A_344 = tpu.memref_squeeze %dma_start3A_343 : memref<1x64x512xf32, #tpu.memory_space<vmem>> -> memref<64x512xf32, #tpu.memory_space<vmem>>
    %dma_start3A_345 = arith.constant 448 : i32
    %dma_start3A_346 = tpu.memref_slice %arg8[%dma_start3A_345] : memref<512xi32, #tpu.memory_space<vmem>> -> memref<64xi32, #tpu.memory_space<vmem>>
    %dma_start3A_347 = arith.constant 0 : i32
    %dma_start3A_348 = arith.constant 0 : i32
    %dma_start3A_349 = tpu.memref_slice %arg2[%dma_start3A_347, %dma_start3A_348] : memref<16384x512xf32, #tpu.memory_space<hbm>> -> memref<16384x512xf32, #tpu.memory_space<hbm>>
    tpu.enqueue_indirect_dma source(%dma_start3A_349 : memref<16384x512xf32, #tpu.memory_space<hbm>>) target(%dma_start3A_344 : memref<64x512xf32, #tpu.memory_space<vmem>>) offsets(%dma_start3A_346 : memref<64xi32, #tpu.memory_space<vmem>>) semaphore(%arg12 : memref<!tpu.dma_semaphore, #tpu.memory_space<semaphore_mem>>)
    %dma_wait3A_350 = arith.constant 0 : i32
    %dma_wait3A_351 = arith.constant 0 : i32
    %dma_wait3A_352 = arith.constant 0 : i32
    %dma_wait3A_353 = tpu.memref_slice %arg9[%dma_wait3A_350, %dma_wait3A_351, %dma_wait3A_352] : memref<3x64x512xf32, #tpu.memory_space<vmem>> -> memref<1x64x512xf32, #tpu.memory_space<vmem>>
    %dma_wait3A_354 = tpu.memref_squeeze %dma_wait3A_353 : memref<1x64x512xf32, #tpu.memory_space<vmem>> -> memref<64x512xf32, #tpu.memory_space<vmem>>
    %dma_wait3A_355 = arith.constant 384 : i32
    %dma_wait3A_356 = tpu.memref_slice %arg8[%dma_wait3A_355] : memref<512xi32, #tpu.memory_space<vmem>> -> memref<64xi32, #tpu.memory_space<vmem>>
    %dma_wait3A_357 = arith.constant 0 : i32
    %dma_wait3A_358 = arith.constant 0 : i32
    %dma_wait3A_359 = tpu.memref_slice %arg2[%dma_wait3A_357, %dma_wait3A_358] : memref<16384x512xf32, #tpu.memory_space<hbm>> -> memref<16384x512xf32, #tpu.memory_space<hbm>>
    tpu.wait_indirect_dma semaphore(%arg12 : memref<!tpu.dma_semaphore, #tpu.memory_space<semaphore_mem>>) src(%dma_wait3A_359 : memref<16384x512xf32, #tpu.memory_space<hbm>>) dst(%dma_wait3A_354 : memref<64x512xf32, #tpu.memory_space<vmem>>)
    %add3A_360 = arith.constant 384 : i32
    %add3A_361 = arith.addi %mul3A_34, %add3A_360 : i32
    %dma_start3A_362 = arith.constant 0 : i32
    %dma_start3A_363 = arith.constant 0 : i32
    %dma_start3A_364 = arith.constant 0 : i32
    %dma_start3A_365 = tpu.memref_slice %arg9[%dma_start3A_362, %dma_start3A_363, %dma_start3A_364] : memref<3x64x512xf32, #tpu.memory_space<vmem>> -> memref<1x64x512xf32, #tpu.memory_space<vmem>>
    %dma_start3A_366 = tpu.memref_squeeze %dma_start3A_365 : memref<1x64x512xf32, #tpu.memory_space<vmem>> -> memref<64x512xf32, #tpu.memory_space<vmem>>
    %dma_start3A_367 = arith.constant 0 : i32
    %dma_start3A_368 = tpu.memref_slice %arg5[%select_n3A, %add3A_361, %dma_start3A_367] : memref<8x2048x512xf32, #tpu.memory_space<hbm>> -> memref<1x64x512xf32, #tpu.memory_space<hbm>>
    %dma_start3A_369 = tpu.memref_squeeze %dma_start3A_368 : memref<1x64x512xf32, #tpu.memory_space<hbm>> -> memref<64x512xf32, #tpu.memory_space<hbm>>
    %dma_start3A_370 = arith.constant 0 : i32
    %dma_start3A_371 = tpu.memref_slice %arg5[%select_n3A, %add3A_361, %dma_start3A_370] : memref<8x2048x512xf32, #tpu.memory_space<hbm>> -> memref<1x64x512xf32, #tpu.memory_space<hbm>>
    %dma_start3A_372 = tpu.memref_squeeze %dma_start3A_371 : memref<1x64x512xf32, #tpu.memory_space<hbm>> -> memref<64x512xf32, #tpu.memory_space<hbm>>
    %dma_start3A_373 = arith.constant 0 : i32
    %dma_start3A_374 = arith.constant 0 : i32
    %dma_start3A_375 = tpu.memref_slice %arg9[%dma_start3A_362, %dma_start3A_373, %dma_start3A_374] : memref<3x64x512xf32, #tpu.memory_space<vmem>> -> memref<1x64x512xf32, #tpu.memory_space<vmem>>
    %dma_start3A_376 = tpu.memref_squeeze %dma_start3A_375 : memref<1x64x512xf32, #tpu.memory_space<vmem>> -> memref<64x512xf32, #tpu.memory_space<vmem>>
    tpu.enqueue_dma source(%dma_start3A_376 : memref<64x512xf32, #tpu.memory_space<vmem>>) target(%dma_start3A_372 : memref<64x512xf32, #tpu.memory_space<hbm>>) target_semaphore(%arg13 : memref<!tpu.dma_semaphore, #tpu.memory_space<semaphore_mem>>)
    %dma_wait3A_377 = arith.constant 1 : i32
    %dma_wait3A_378 = arith.constant 0 : i32
    %dma_wait3A_379 = arith.constant 0 : i32
    %dma_wait3A_380 = tpu.memref_slice %arg9[%dma_wait3A_377, %dma_wait3A_378, %dma_wait3A_379] : memref<3x64x512xf32, #tpu.memory_space<vmem>> -> memref<1x64x512xf32, #tpu.memory_space<vmem>>
    %dma_wait3A_381 = tpu.memref_squeeze %dma_wait3A_380 : memref<1x64x512xf32, #tpu.memory_space<vmem>> -> memref<64x512xf32, #tpu.memory_space<vmem>>
    %dma_wait3A_382 = arith.constant 448 : i32
    %dma_wait3A_383 = tpu.memref_slice %arg8[%dma_wait3A_382] : memref<512xi32, #tpu.memory_space<vmem>> -> memref<64xi32, #tpu.memory_space<vmem>>
    %dma_wait3A_384 = arith.constant 0 : i32
    %dma_wait3A_385 = arith.constant 0 : i32
    %dma_wait3A_386 = tpu.memref_slice %arg2[%dma_wait3A_384, %dma_wait3A_385] : memref<16384x512xf32, #tpu.memory_space<hbm>> -> memref<16384x512xf32, #tpu.memory_space<hbm>>
    tpu.wait_indirect_dma semaphore(%arg12 : memref<!tpu.dma_semaphore, #tpu.memory_space<semaphore_mem>>) src(%dma_wait3A_386 : memref<16384x512xf32, #tpu.memory_space<hbm>>) dst(%dma_wait3A_381 : memref<64x512xf32, #tpu.memory_space<vmem>>)
    %add3A_387 = arith.constant 448 : i32
    %add3A_388 = arith.addi %mul3A_34, %add3A_387 : i32
    %dma_start3A_389 = arith.constant 1 : i32
    %dma_start3A_390 = arith.constant 0 : i32
    %dma_start3A_391 = arith.constant 0 : i32
    %dma_start3A_392 = tpu.memref_slice %arg9[%dma_start3A_389, %dma_start3A_390, %dma_start3A_391] : memref<3x64x512xf32, #tpu.memory_space<vmem>> -> memref<1x64x512xf32, #tpu.memory_space<vmem>>
    %dma_start3A_393 = tpu.memref_squeeze %dma_start3A_392 : memref<1x64x512xf32, #tpu.memory_space<vmem>> -> memref<64x512xf32, #tpu.memory_space<vmem>>
    %dma_start3A_394 = arith.constant 0 : i32
    %dma_start3A_395 = tpu.memref_slice %arg5[%select_n3A, %add3A_388, %dma_start3A_394] : memref<8x2048x512xf32, #tpu.memory_space<hbm>> -> memref<1x64x512xf32, #tpu.memory_space<hbm>>
    %dma_start3A_396 = tpu.memref_squeeze %dma_start3A_395 : memref<1x64x512xf32, #tpu.memory_space<hbm>> -> memref<64x512xf32, #tpu.memory_space<hbm>>
    %dma_start3A_397 = arith.constant 0 : i32
    %dma_start3A_398 = tpu.memref_slice %arg5[%select_n3A, %add3A_388, %dma_start3A_397] : memref<8x2048x512xf32, #tpu.memory_space<hbm>> -> memref<1x64x512xf32, #tpu.memory_space<hbm>>
    %dma_start3A_399 = tpu.memref_squeeze %dma_start3A_398 : memref<1x64x512xf32, #tpu.memory_space<hbm>> -> memref<64x512xf32, #tpu.memory_space<hbm>>
    %dma_start3A_400 = arith.constant 0 : i32
    %dma_start3A_401 = arith.constant 0 : i32
    %dma_start3A_402 = tpu.memref_slice %arg9[%dma_start3A_389, %dma_start3A_400, %dma_start3A_401] : memref<3x64x512xf32, #tpu.memory_space<vmem>> -> memref<1x64x512xf32, #tpu.memory_space<vmem>>
    %dma_start3A_403 = tpu.memref_squeeze %dma_start3A_402 : memref<1x64x512xf32, #tpu.memory_space<vmem>> -> memref<64x512xf32, #tpu.memory_space<vmem>>
    tpu.enqueue_dma source(%dma_start3A_403 : memref<64x512xf32, #tpu.memory_space<vmem>>) target(%dma_start3A_399 : memref<64x512xf32, #tpu.memory_space<hbm>>) target_semaphore(%arg13 : memref<!tpu.dma_semaphore, #tpu.memory_space<semaphore_mem>>)
    %mul3A_404 = arith.constant 2048 : i32
    %mul3A_405 = arith.muli %select_n3A, %mul3A_404 : i32
    %get3A = arith.constant 0 : index
    %get3A_406 = tpu.vector_load %arg8[%get3A] {strides = array<i32>} : memref<512xi32, #tpu.memory_space<vmem>>, vector<16xi32>,
    %get3A_407 = vector.shape_cast %get3A_406 : vector<16xi32> to vector<16xi32>
    %sub3A_408 = vector.broadcast %mul3A_405 : i32 to vector<16xi32>
    %sub3A_409 = arith.subi %get3A_407, %sub3A_408 : vector<16xi32>
    %swap3A = arith.constant 0 : index
    %swap3A_410 = tpu.vector_load %arg11[%swap3A] {strides = array<i32>} : memref<512xi32, #tpu.memory_space<vmem>>, vector<16xi32>,
    %swap3A_411 = vector.shape_cast %swap3A_410 : vector<16xi32> to vector<16xi32>
    %swap3A_412 = vector.shape_cast %sub3A_409 : vector<16xi32> to vector<16xi32>
    tpu.vector_store %arg11[%swap3A], %swap3A_412 {strides = array<i32>} : memref<512xi32, #tpu.memory_space<vmem>>, vector<16xi32>,
    %get3A_413 = arith.constant 16 : index
    %get3A_414 = tpu.vector_load %arg8[%get3A_413] {strides = array<i32>} : memref<512xi32, #tpu.memory_space<vmem>>, vector<16xi32>,
    %get3A_415 = vector.shape_cast %get3A_414 : vector<16xi32> to vector<16xi32>
    %sub3A_416 = vector.broadcast %mul3A_405 : i32 to vector<16xi32>
    %sub3A_417 = arith.subi %get3A_415, %sub3A_416 : vector<16xi32>
    %swap3A_418 = arith.constant 16 : index
    %swap3A_419 = tpu.vector_load %arg11[%swap3A_418] {strides = array<i32>} : memref<512xi32, #tpu.memory_space<vmem>>, vector<16xi32>,
    %swap3A_420 = vector.shape_cast %swap3A_419 : vector<16xi32> to vector<16xi32>
    %swap3A_421 = vector.shape_cast %sub3A_417 : vector<16xi32> to vector<16xi32>
    tpu.vector_store %arg11[%swap3A_418], %swap3A_421 {strides = array<i32>} : memref<512xi32, #tpu.memory_space<vmem>>, vector<16xi32>,
    %get3A_422 = arith.constant 32 : index
    %get3A_423 = tpu.vector_load %arg8[%get3A_422] {strides = array<i32>} : memref<512xi32, #tpu.memory_space<vmem>>, vector<16xi32>,
    %get3A_424 = vector.shape_cast %get3A_423 : vector<16xi32> to vector<16xi32>
    %sub3A_425 = vector.broadcast %mul3A_405 : i32 to vector<16xi32>
    %sub3A_426 = arith.subi %get3A_424, %sub3A_425 : vector<16xi32>
    %swap3A_427 = arith.constant 32 : index
    %swap3A_428 = tpu.vector_load %arg11[%swap3A_427] {strides = array<i32>} : memref<512xi32, #tpu.memory_space<vmem>>, vector<16xi32>,
    %swap3A_429 = vector.shape_cast %swap3A_428 : vector<16xi32> to vector<16xi32>
    %swap3A_430 = vector.shape_cast %sub3A_426 : vector<16xi32> to vector<16xi32>
    tpu.vector_store %arg11[%swap3A_427], %swap3A_430 {strides = array<i32>} : memref<512xi32, #tpu.memory_space<vmem>>, vector<16xi32>,
    %get3A_431 = arith.constant 48 : index
    %get3A_432 = tpu.vector_load %arg8[%get3A_431] {strides = array<i32>} : memref<512xi32, #tpu.memory_space<vmem>>, vector<16xi32>,
    %get3A_433 = vector.shape_cast %get3A_432 : vector<16xi32> to vector<16xi32>
    %sub3A_434 = vector.broadcast %mul3A_405 : i32 to vector<16xi32>
    %sub3A_435 = arith.subi %get3A_433, %sub3A_434 : vector<16xi32>
    %swap3A_436 = arith.constant 48 : index
    %swap3A_437 = tpu.vector_load %arg11[%swap3A_436] {strides = array<i32>} : memref<512xi32, #tpu.memory_space<vmem>>, vector<16xi32>,
    %swap3A_438 = vector.shape_cast %swap3A_437 : vector<16xi32> to vector<16xi32>
    %swap3A_439 = vector.shape_cast %sub3A_435 : vector<16xi32> to vector<16xi32>
    tpu.vector_store %arg11[%swap3A_436], %swap3A_439 {strides = array<i32>} : memref<512xi32, #tpu.memory_space<vmem>>, vector<16xi32>,
    %get3A_440 = arith.constant 64 : index
    %get3A_441 = tpu.vector_load %arg8[%get3A_440] {strides = array<i32>} : memref<512xi32, #tpu.memory_space<vmem>>, vector<16xi32>,
    %get3A_442 = vector.shape_cast %get3A_441 : vector<16xi32> to vector<16xi32>
    %sub3A_443 = vector.broadcast %mul3A_405 : i32 to vector<16xi32>
    %sub3A_444 = arith.subi %get3A_442, %sub3A_443 : vector<16xi32>
    %swap3A_445 = arith.constant 64 : index
    %swap3A_446 = tpu.vector_load %arg11[%swap3A_445] {strides = array<i32>} : memref<512xi32, #tpu.memory_space<vmem>>, vector<16xi32>,
    %swap3A_447 = vector.shape_cast %swap3A_446 : vector<16xi32> to vector<16xi32>
    %swap3A_448 = vector.shape_cast %sub3A_444 : vector<16xi32> to vector<16xi32>
    tpu.vector_store %arg11[%swap3A_445], %swap3A_448 {strides = array<i32>} : memref<512xi32, #tpu.memory_space<vmem>>, vector<16xi32>,
    %get3A_449 = arith.constant 80 : index
    %get3A_450 = tpu.vector_load %arg8[%get3A_449] {strides = array<i32>} : memref<512xi32, #tpu.memory_space<vmem>>, vector<16xi32>,
    %get3A_451 = vector.shape_cast %get3A_450 : vector<16xi32> to vector<16xi32>
    %sub3A_452 = vector.broadcast %mul3A_405 : i32 to vector<16xi32>
    %sub3A_453 = arith.subi %get3A_451, %sub3A_452 : vector<16xi32>
    %swap3A_454 = arith.constant 80 : index
    %swap3A_455 = tpu.vector_load %arg11[%swap3A_454] {strides = array<i32>} : memref<512xi32, #tpu.memory_space<vmem>>, vector<16xi32>,
    %swap3A_456 = vector.shape_cast %swap3A_455 : vector<16xi32> to vector<16xi32>
    %swap3A_457 = vector.shape_cast %sub3A_453 : vector<16xi32> to vector<16xi32>
    tpu.vector_store %arg11[%swap3A_454], %swap3A_457 {strides = array<i32>} : memref<512xi32, #tpu.memory_space<vmem>>, vector<16xi32>,
    %get3A_458 = arith.constant 96 : index
    %get3A_459 = tpu.vector_load %arg8[%get3A_458] {strides = array<i32>} : memref<512xi32, #tpu.memory_space<vmem>>, vector<16xi32>,
    %get3A_460 = vector.shape_cast %get3A_459 : vector<16xi32> to vector<16xi32>
    %sub3A_461 = vector.broadcast %mul3A_405 : i32 to vector<16xi32>
    %sub3A_462 = arith.subi %get3A_460, %sub3A_461 : vector<16xi32>
    %swap3A_463 = arith.constant 96 : index
    %swap3A_464 = tpu.vector_load %arg11[%swap3A_463] {strides = array<i32>} : memref<512xi32, #tpu.memory_space<vmem>>, vector<16xi32>,
    %swap3A_465 = vector.shape_cast %swap3A_464 : vector<16xi32> to vector<16xi32>
    %swap3A_466 = vector.shape_cast %sub3A_462 : vector<16xi32> to vector<16xi32>
    tpu.vector_store %arg11[%swap3A_463], %swap3A_466 {strides = array<i32>} : memref<512xi32, #tpu.memory_space<vmem>>, vector<16xi32>,
    %get3A_467 = arith.constant 112 : index
    %get3A_468 = tpu.vector_load %arg8[%get3A_467] {strides = array<i32>} : memref<512xi32, #tpu.memory_space<vmem>>, vector<16xi32>,
    %get3A_469 = vector.shape_cast %get3A_468 : vector<16xi32> to vector<16xi32>
    %sub3A_470 = vector.broadcast %mul3A_405 : i32 to vector<16xi32>
    %sub3A_471 = arith.subi %get3A_469, %sub3A_470 : vector<16xi32>
    %swap3A_472 = arith.constant 112 : index
    %swap3A_473 = tpu.vector_load %arg11[%swap3A_472] {strides = array<i32>} : memref<512xi32, #tpu.memory_space<vmem>>, vector<16xi32>,
    %swap3A_474 = vector.shape_cast %swap3A_473 : vector<16xi32> to vector<16xi32>
    %swap3A_475 = vector.shape_cast %sub3A_471 : vector<16xi32> to vector<16xi32>
    tpu.vector_store %arg11[%swap3A_472], %swap3A_475 {strides = array<i32>} : memref<512xi32, #tpu.memory_space<vmem>>, vector<16xi32>,
    %get3A_476 = arith.constant 128 : index
    %get3A_477 = tpu.vector_load %arg8[%get3A_476] {strides = array<i32>} : memref<512xi32, #tpu.memory_space<vmem>>, vector<16xi32>,
    %get3A_478 = vector.shape_cast %get3A_477 : vector<16xi32> to vector<16xi32>
    %sub3A_479 = vector.broadcast %mul3A_405 : i32 to vector<16xi32>
    %sub3A_480 = arith.subi %get3A_478, %sub3A_479 : vector<16xi32>
    %swap3A_481 = arith.constant 128 : index
    %swap3A_482 = tpu.vector_load %arg11[%swap3A_481] {strides = array<i32>} : memref<512xi32, #tpu.memory_space<vmem>>, vector<16xi32>,
    %swap3A_483 = vector.shape_cast %swap3A_482 : vector<16xi32> to vector<16xi32>
    %swap3A_484 = vector.shape_cast %sub3A_480 : vector<16xi32> to vector<16xi32>
    tpu.vector_store %arg11[%swap3A_481], %swap3A_484 {strides = array<i32>} : memref<512xi32, #tpu.memory_space<vmem>>, vector<16xi32>,
    %get3A_485 = arith.constant 144 : index
    %get3A_486 = tpu.vector_load %arg8[%get3A_485] {strides = array<i32>} : memref<512xi32, #tpu.memory_space<vmem>>, vector<16xi32>,
    %get3A_487 = vector.shape_cast %get3A_486 : vector<16xi32> to vector<16xi32>
    %sub3A_488 = vector.broadcast %mul3A_405 : i32 to vector<16xi32>
    %sub3A_489 = arith.subi %get3A_487, %sub3A_488 : vector<16xi32>
    %swap3A_490 = arith.constant 144 : index
    %swap3A_491 = tpu.vector_load %arg11[%swap3A_490] {strides = array<i32>} : memref<512xi32, #tpu.memory_space<vmem>>, vector<16xi32>,
    %swap3A_492 = vector.shape_cast %swap3A_491 : vector<16xi32> to vector<16xi32>
    %swap3A_493 = vector.shape_cast %sub3A_489 : vector<16xi32> to vector<16xi32>
    tpu.vector_store %arg11[%swap3A_490], %swap3A_493 {strides = array<i32>} : memref<512xi32, #tpu.memory_space<vmem>>, vector<16xi32>,
    %get3A_494 = arith.constant 160 : index
    %get3A_495 = tpu.vector_load %arg8[%get3A_494] {strides = array<i32>} : memref<512xi32, #tpu.memory_space<vmem>>, vector<16xi32>,
    %get3A_496 = vector.shape_cast %get3A_495 : vector<16xi32> to vector<16xi32>
    %sub3A_497 = vector.broadcast %mul3A_405 : i32 to vector<16xi32>
    %sub3A_498 = arith.subi %get3A_496, %sub3A_497 : vector<16xi32>
    %swap3A_499 = arith.constant 160 : index
    %swap3A_500 = tpu.vector_load %arg11[%swap3A_499] {strides = array<i32>} : memref<512xi32, #tpu.memory_space<vmem>>, vector<16xi32>,
    %swap3A_501 = vector.shape_cast %swap3A_500 : vector<16xi32> to vector<16xi32>
    %swap3A_502 = vector.shape_cast %sub3A_498 : vector<16xi32> to vector<16xi32>
    tpu.vector_store %arg11[%swap3A_499], %swap3A_502 {strides = array<i32>} : memref<512xi32, #tpu.memory_space<vmem>>, vector<16xi32>,
    %get3A_503 = arith.constant 176 : index
    %get3A_504 = tpu.vector_load %arg8[%get3A_503] {strides = array<i32>} : memref<512xi32, #tpu.memory_space<vmem>>, vector<16xi32>,
    %get3A_505 = vector.shape_cast %get3A_504 : vector<16xi32> to vector<16xi32>
    %sub3A_506 = vector.broadcast %mul3A_405 : i32 to vector<16xi32>
    %sub3A_507 = arith.subi %get3A_505, %sub3A_506 : vector<16xi32>
    %swap3A_508 = arith.constant 176 : index
    %swap3A_509 = tpu.vector_load %arg11[%swap3A_508] {strides = array<i32>} : memref<512xi32, #tpu.memory_space<vmem>>, vector<16xi32>,
    %swap3A_510 = vector.shape_cast %swap3A_509 : vector<16xi32> to vector<16xi32>
    %swap3A_511 = vector.shape_cast %sub3A_507 : vector<16xi32> to vector<16xi32>
    tpu.vector_store %arg11[%swap3A_508], %swap3A_511 {strides = array<i32>} : memref<512xi32, #tpu.memory_space<vmem>>, vector<16xi32>,
    %get3A_512 = arith.constant 192 : index
    %get3A_513 = tpu.vector_load %arg8[%get3A_512] {strides = array<i32>} : memref<512xi32, #tpu.memory_space<vmem>>, vector<16xi32>,
    %get3A_514 = vector.shape_cast %get3A_513 : vector<16xi32> to vector<16xi32>
    %sub3A_515 = vector.broadcast %mul3A_405 : i32 to vector<16xi32>
    %sub3A_516 = arith.subi %get3A_514, %sub3A_515 : vector<16xi32>
    %swap3A_517 = arith.constant 192 : index
    %swap3A_518 = tpu.vector_load %arg11[%swap3A_517] {strides = array<i32>} : memref<512xi32, #tpu.memory_space<vmem>>, vector<16xi32>,
    %swap3A_519 = vector.shape_cast %swap3A_518 : vector<16xi32> to vector<16xi32>
    %swap3A_520 = vector.shape_cast %sub3A_516 : vector<16xi32> to vector<16xi32>
    tpu.vector_store %arg11[%swap3A_517], %swap3A_520 {strides = array<i32>} : memref<512xi32, #tpu.memory_space<vmem>>, vector<16xi32>,
    %get3A_521 = arith.constant 208 : index
    %get3A_522 = tpu.vector_load %arg8[%get3A_521] {strides = array<i32>} : memref<512xi32, #tpu.memory_space<vmem>>, vector<16xi32>,
    %get3A_523 = vector.shape_cast %get3A_522 : vector<16xi32> to vector<16xi32>
    %sub3A_524 = vector.broadcast %mul3A_405 : i32 to vector<16xi32>
    %sub3A_525 = arith.subi %get3A_523, %sub3A_524 : vector<16xi32>
    %swap3A_526 = arith.constant 208 : index
    %swap3A_527 = tpu.vector_load %arg11[%swap3A_526] {strides = array<i32>} : memref<512xi32, #tpu.memory_space<vmem>>, vector<16xi32>,
    %swap3A_528 = vector.shape_cast %swap3A_527 : vector<16xi32> to vector<16xi32>
    %swap3A_529 = vector.shape_cast %sub3A_525 : vector<16xi32> to vector<16xi32>
    tpu.vector_store %arg11[%swap3A_526], %swap3A_529 {strides = array<i32>} : memref<512xi32, #tpu.memory_space<vmem>>, vector<16xi32>,
    %get3A_530 = arith.constant 224 : index
    %get3A_531 = tpu.vector_load %arg8[%get3A_530] {strides = array<i32>} : memref<512xi32, #tpu.memory_space<vmem>>, vector<16xi32>,
    %get3A_532 = vector.shape_cast %get3A_531 : vector<16xi32> to vector<16xi32>
    %sub3A_533 = vector.broadcast %mul3A_405 : i32 to vector<16xi32>
    %sub3A_534 = arith.subi %get3A_532, %sub3A_533 : vector<16xi32>
    %swap3A_535 = arith.constant 224 : index
    %swap3A_536 = tpu.vector_load %arg11[%swap3A_535] {strides = array<i32>} : memref<512xi32, #tpu.memory_space<vmem>>, vector<16xi32>,
    %swap3A_537 = vector.shape_cast %swap3A_536 : vector<16xi32> to vector<16xi32>
    %swap3A_538 = vector.shape_cast %sub3A_534 : vector<16xi32> to vector<16xi32>
    tpu.vector_store %arg11[%swap3A_535], %swap3A_538 {strides = array<i32>} : memref<512xi32, #tpu.memory_space<vmem>>, vector<16xi32>,
    %get3A_539 = arith.constant 240 : index
    %get3A_540 = tpu.vector_load %arg8[%get3A_539] {strides = array<i32>} : memref<512xi32, #tpu.memory_space<vmem>>, vector<16xi32>,
    %get3A_541 = vector.shape_cast %get3A_540 : vector<16xi32> to vector<16xi32>
    %sub3A_542 = vector.broadcast %mul3A_405 : i32 to vector<16xi32>
    %sub3A_543 = arith.subi %get3A_541, %sub3A_542 : vector<16xi32>
    %swap3A_544 = arith.constant 240 : index
    %swap3A_545 = tpu.vector_load %arg11[%swap3A_544] {strides = array<i32>} : memref<512xi32, #tpu.memory_space<vmem>>, vector<16xi32>,
    %swap3A_546 = vector.shape_cast %swap3A_545 : vector<16xi32> to vector<16xi32>
    %swap3A_547 = vector.shape_cast %sub3A_543 : vector<16xi32> to vector<16xi32>
    tpu.vector_store %arg11[%swap3A_544], %swap3A_547 {strides = array<i32>} : memref<512xi32, #tpu.memory_space<vmem>>, vector<16xi32>,
    %get3A_548 = arith.constant 256 : index
    %get3A_549 = tpu.vector_load %arg8[%get3A_548] {strides = array<i32>} : memref<512xi32, #tpu.memory_space<vmem>>, vector<16xi32>,
    %get3A_550 = vector.shape_cast %get3A_549 : vector<16xi32> to vector<16xi32>
    %sub3A_551 = vector.broadcast %mul3A_405 : i32 to vector<16xi32>
    %sub3A_552 = arith.subi %get3A_550, %sub3A_551 : vector<16xi32>
    %swap3A_553 = arith.constant 256 : index
    %swap3A_554 = tpu.vector_load %arg11[%swap3A_553] {strides = array<i32>} : memref<512xi32, #tpu.memory_space<vmem>>, vector<16xi32>,
    %swap3A_555 = vector.shape_cast %swap3A_554 : vector<16xi32> to vector<16xi32>
    %swap3A_556 = vector.shape_cast %sub3A_552 : vector<16xi32> to vector<16xi32>
    tpu.vector_store %arg11[%swap3A_553], %swap3A_556 {strides = array<i32>} : memref<512xi32, #tpu.memory_space<vmem>>, vector<16xi32>,
    %get3A_557 = arith.constant 272 : index
    %get3A_558 = tpu.vector_load %arg8[%get3A_557] {strides = array<i32>} : memref<512xi32, #tpu.memory_space<vmem>>, vector<16xi32>,
    %get3A_559 = vector.shape_cast %get3A_558 : vector<16xi32> to vector<16xi32>
    %sub3A_560 = vector.broadcast %mul3A_405 : i32 to vector<16xi32>
    %sub3A_561 = arith.subi %get3A_559, %sub3A_560 : vector<16xi32>
    %swap3A_562 = arith.constant 272 : index
    %swap3A_563 = tpu.vector_load %arg11[%swap3A_562] {strides = array<i32>} : memref<512xi32, #tpu.memory_space<vmem>>, vector<16xi32>,
    %swap3A_564 = vector.shape_cast %swap3A_563 : vector<16xi32> to vector<16xi32>
    %swap3A_565 = vector.shape_cast %sub3A_561 : vector<16xi32> to vector<16xi32>
    tpu.vector_store %arg11[%swap3A_562], %swap3A_565 {strides = array<i32>} : memref<512xi32, #tpu.memory_space<vmem>>, vector<16xi32>,
    %get3A_566 = arith.constant 288 : index
    %get3A_567 = tpu.vector_load %arg8[%get3A_566] {strides = array<i32>} : memref<512xi32, #tpu.memory_space<vmem>>, vector<16xi32>,
    %get3A_568 = vector.shape_cast %get3A_567 : vector<16xi32> to vector<16xi32>
    %sub3A_569 = vector.broadcast %mul3A_405 : i32 to vector<16xi32>
    %sub3A_570 = arith.subi %get3A_568, %sub3A_569 : vector<16xi32>
    %swap3A_571 = arith.constant 288 : index
    %swap3A_572 = tpu.vector_load %arg11[%swap3A_571] {strides = array<i32>} : memref<512xi32, #tpu.memory_space<vmem>>, vector<16xi32>,
    %swap3A_573 = vector.shape_cast %swap3A_572 : vector<16xi32> to vector<16xi32>
    %swap3A_574 = vector.shape_cast %sub3A_570 : vector<16xi32> to vector<16xi32>
    tpu.vector_store %arg11[%swap3A_571], %swap3A_574 {strides = array<i32>} : memref<512xi32, #tpu.memory_space<vmem>>, vector<16xi32>,
    %get3A_575 = arith.constant 304 : index
    %get3A_576 = tpu.vector_load %arg8[%get3A_575] {strides = array<i32>} : memref<512xi32, #tpu.memory_space<vmem>>, vector<16xi32>,
    %get3A_577 = vector.shape_cast %get3A_576 : vector<16xi32> to vector<16xi32>
    %sub3A_578 = vector.broadcast %mul3A_405 : i32 to vector<16xi32>
    %sub3A_579 = arith.subi %get3A_577, %sub3A_578 : vector<16xi32>
    %swap3A_580 = arith.constant 304 : index
    %swap3A_581 = tpu.vector_load %arg11[%swap3A_580] {strides = array<i32>} : memref<512xi32, #tpu.memory_space<vmem>>, vector<16xi32>,
    %swap3A_582 = vector.shape_cast %swap3A_581 : vector<16xi32> to vector<16xi32>
    %swap3A_583 = vector.shape_cast %sub3A_579 : vector<16xi32> to vector<16xi32>
    tpu.vector_store %arg11[%swap3A_580], %swap3A_583 {strides = array<i32>} : memref<512xi32, #tpu.memory_space<vmem>>, vector<16xi32>,
    %get3A_584 = arith.constant 320 : index
    %get3A_585 = tpu.vector_load %arg8[%get3A_584] {strides = array<i32>} : memref<512xi32, #tpu.memory_space<vmem>>, vector<16xi32>,
    %get3A_586 = vector.shape_cast %get3A_585 : vector<16xi32> to vector<16xi32>
    %sub3A_587 = vector.broadcast %mul3A_405 : i32 to vector<16xi32>
    %sub3A_588 = arith.subi %get3A_586, %sub3A_587 : vector<16xi32>
    %swap3A_589 = arith.constant 320 : index
    %swap3A_590 = tpu.vector_load %arg11[%swap3A_589] {strides = array<i32>} : memref<512xi32, #tpu.memory_space<vmem>>, vector<16xi32>,
    %swap3A_591 = vector.shape_cast %swap3A_590 : vector<16xi32> to vector<16xi32>
    %swap3A_592 = vector.shape_cast %sub3A_588 : vector<16xi32> to vector<16xi32>
    tpu.vector_store %arg11[%swap3A_589], %swap3A_592 {strides = array<i32>} : memref<512xi32, #tpu.memory_space<vmem>>, vector<16xi32>,
    %get3A_593 = arith.constant 336 : index
    %get3A_594 = tpu.vector_load %arg8[%get3A_593] {strides = array<i32>} : memref<512xi32, #tpu.memory_space<vmem>>, vector<16xi32>,
    %get3A_595 = vector.shape_cast %get3A_594 : vector<16xi32> to vector<16xi32>
    %sub3A_596 = vector.broadcast %mul3A_405 : i32 to vector<16xi32>
    %sub3A_597 = arith.subi %get3A_595, %sub3A_596 : vector<16xi32>
    %swap3A_598 = arith.constant 336 : index
    %swap3A_599 = tpu.vector_load %arg11[%swap3A_598] {strides = array<i32>} : memref<512xi32, #tpu.memory_space<vmem>>, vector<16xi32>,
    %swap3A_600 = vector.shape_cast %swap3A_599 : vector<16xi32> to vector<16xi32>
    %swap3A_601 = vector.shape_cast %sub3A_597 : vector<16xi32> to vector<16xi32>
    tpu.vector_store %arg11[%swap3A_598], %swap3A_601 {strides = array<i32>} : memref<512xi32, #tpu.memory_space<vmem>>, vector<16xi32>,
    %get3A_602 = arith.constant 352 : index
    %get3A_603 = tpu.vector_load %arg8[%get3A_602] {strides = array<i32>} : memref<512xi32, #tpu.memory_space<vmem>>, vector<16xi32>,
    %get3A_604 = vector.shape_cast %get3A_603 : vector<16xi32> to vector<16xi32>
    %sub3A_605 = vector.broadcast %mul3A_405 : i32 to vector<16xi32>
    %sub3A_606 = arith.subi %get3A_604, %sub3A_605 : vector<16xi32>
    %swap3A_607 = arith.constant 352 : index
    %swap3A_608 = tpu.vector_load %arg11[%swap3A_607] {strides = array<i32>} : memref<512xi32, #tpu.memory_space<vmem>>, vector<16xi32>,
    %swap3A_609 = vector.shape_cast %swap3A_608 : vector<16xi32> to vector<16xi32>
    %swap3A_610 = vector.shape_cast %sub3A_606 : vector<16xi32> to vector<16xi32>
    tpu.vector_store %arg11[%swap3A_607], %swap3A_610 {strides = array<i32>} : memref<512xi32, #tpu.memory_space<vmem>>, vector<16xi32>,
    %get3A_611 = arith.constant 368 : index
    %get3A_612 = tpu.vector_load %arg8[%get3A_611] {strides = array<i32>} : memref<512xi32, #tpu.memory_space<vmem>>, vector<16xi32>,
    %get3A_613 = vector.shape_cast %get3A_612 : vector<16xi32> to vector<16xi32>
    %sub3A_614 = vector.broadcast %mul3A_405 : i32 to vector<16xi32>
    %sub3A_615 = arith.subi %get3A_613, %sub3A_614 : vector<16xi32>
    %swap3A_616 = arith.constant 368 : index
    %swap3A_617 = tpu.vector_load %arg11[%swap3A_616] {strides = array<i32>} : memref<512xi32, #tpu.memory_space<vmem>>, vector<16xi32>,
    %swap3A_618 = vector.shape_cast %swap3A_617 : vector<16xi32> to vector<16xi32>
    %swap3A_619 = vector.shape_cast %sub3A_615 : vector<16xi32> to vector<16xi32>
    tpu.vector_store %arg11[%swap3A_616], %swap3A_619 {strides = array<i32>} : memref<512xi32, #tpu.memory_space<vmem>>, vector<16xi32>,
    %get3A_620 = arith.constant 384 : index
    %get3A_621 = tpu.vector_load %arg8[%get3A_620] {strides = array<i32>} : memref<512xi32, #tpu.memory_space<vmem>>, vector<16xi32>,
    %get3A_622 = vector.shape_cast %get3A_621 : vector<16xi32> to vector<16xi32>
    %sub3A_623 = vector.broadcast %mul3A_405 : i32 to vector<16xi32>
    %sub3A_624 = arith.subi %get3A_622, %sub3A_623 : vector<16xi32>
    %swap3A_625 = arith.constant 384 : index
    %swap3A_626 = tpu.vector_load %arg11[%swap3A_625] {strides = array<i32>} : memref<512xi32, #tpu.memory_space<vmem>>, vector<16xi32>,
    %swap3A_627 = vector.shape_cast %swap3A_626 : vector<16xi32> to vector<16xi32>
    %swap3A_628 = vector.shape_cast %sub3A_624 : vector<16xi32> to vector<16xi32>
    tpu.vector_store %arg11[%swap3A_625], %swap3A_628 {strides = array<i32>} : memref<512xi32, #tpu.memory_space<vmem>>, vector<16xi32>,
    %get3A_629 = arith.constant 400 : index
    %get3A_630 = tpu.vector_load %arg8[%get3A_629] {strides = array<i32>} : memref<512xi32, #tpu.memory_space<vmem>>, vector<16xi32>,
    %get3A_631 = vector.shape_cast %get3A_630 : vector<16xi32> to vector<16xi32>
    %sub3A_632 = vector.broadcast %mul3A_405 : i32 to vector<16xi32>
    %sub3A_633 = arith.subi %get3A_631, %sub3A_632 : vector<16xi32>
    %swap3A_634 = arith.constant 400 : index
    %swap3A_635 = tpu.vector_load %arg11[%swap3A_634] {strides = array<i32>} : memref<512xi32, #tpu.memory_space<vmem>>, vector<16xi32>,
    %swap3A_636 = vector.shape_cast %swap3A_635 : vector<16xi32> to vector<16xi32>
    %swap3A_637 = vector.shape_cast %sub3A_633 : vector<16xi32> to vector<16xi32>
    tpu.vector_store %arg11[%swap3A_634], %swap3A_637 {strides = array<i32>} : memref<512xi32, #tpu.memory_space<vmem>>, vector<16xi32>,
    %get3A_638 = arith.constant 416 : index
    %get3A_639 = tpu.vector_load %arg8[%get3A_638] {strides = array<i32>} : memref<512xi32, #tpu.memory_space<vmem>>, vector<16xi32>,
    %get3A_640 = vector.shape_cast %get3A_639 : vector<16xi32> to vector<16xi32>
    %sub3A_641 = vector.broadcast %mul3A_405 : i32 to vector<16xi32>
    %sub3A_642 = arith.subi %get3A_640, %sub3A_641 : vector<16xi32>
    %swap3A_643 = arith.constant 416 : index
    %swap3A_644 = tpu.vector_load %arg11[%swap3A_643] {strides = array<i32>} : memref<512xi32, #tpu.memory_space<vmem>>, vector<16xi32>,
    %swap3A_645 = vector.shape_cast %swap3A_644 : vector<16xi32> to vector<16xi32>
    %swap3A_646 = vector.shape_cast %sub3A_642 : vector<16xi32> to vector<16xi32>
    tpu.vector_store %arg11[%swap3A_643], %swap3A_646 {strides = array<i32>} : memref<512xi32, #tpu.memory_space<vmem>>, vector<16xi32>,
    %get3A_647 = arith.constant 432 : index
    %get3A_648 = tpu.vector_load %arg8[%get3A_647] {strides = array<i32>} : memref<512xi32, #tpu.memory_space<vmem>>, vector<16xi32>,
    %get3A_649 = vector.shape_cast %get3A_648 : vector<16xi32> to vector<16xi32>
    %sub3A_650 = vector.broadcast %mul3A_405 : i32 to vector<16xi32>
    %sub3A_651 = arith.subi %get3A_649, %sub3A_650 : vector<16xi32>
    %swap3A_652 = arith.constant 432 : index
    %swap3A_653 = tpu.vector_load %arg11[%swap3A_652] {strides = array<i32>} : memref<512xi32, #tpu.memory_space<vmem>>, vector<16xi32>,
    %swap3A_654 = vector.shape_cast %swap3A_653 : vector<16xi32> to vector<16xi32>
    %swap3A_655 = vector.shape_cast %sub3A_651 : vector<16xi32> to vector<16xi32>
    tpu.vector_store %arg11[%swap3A_652], %swap3A_655 {strides = array<i32>} : memref<512xi32, #tpu.memory_space<vmem>>, vector<16xi32>,
    %get3A_656 = arith.constant 448 : index
    %get3A_657 = tpu.vector_load %arg8[%get3A_656] {strides = array<i32>} : memref<512xi32, #tpu.memory_space<vmem>>, vector<16xi32>,
    %get3A_658 = vector.shape_cast %get3A_657 : vector<16xi32> to vector<16xi32>
    %sub3A_659 = vector.broadcast %mul3A_405 : i32 to vector<16xi32>
    %sub3A_660 = arith.subi %get3A_658, %sub3A_659 : vector<16xi32>
    %swap3A_661 = arith.constant 448 : index
    %swap3A_662 = tpu.vector_load %arg11[%swap3A_661] {strides = array<i32>} : memref<512xi32, #tpu.memory_space<vmem>>, vector<16xi32>,
    %swap3A_663 = vector.shape_cast %swap3A_662 : vector<16xi32> to vector<16xi32>
    %swap3A_664 = vector.shape_cast %sub3A_660 : vector<16xi32> to vector<16xi32>
    tpu.vector_store %arg11[%swap3A_661], %swap3A_664 {strides = array<i32>} : memref<512xi32, #tpu.memory_space<vmem>>, vector<16xi32>,
    %get3A_665 = arith.constant 464 : index
    %get3A_666 = tpu.vector_load %arg8[%get3A_665] {strides = array<i32>} : memref<512xi32, #tpu.memory_space<vmem>>, vector<16xi32>,
    %get3A_667 = vector.shape_cast %get3A_666 : vector<16xi32> to vector<16xi32>
    %sub3A_668 = vector.broadcast %mul3A_405 : i32 to vector<16xi32>
    %sub3A_669 = arith.subi %get3A_667, %sub3A_668 : vector<16xi32>
    %swap3A_670 = arith.constant 464 : index
    %swap3A_671 = tpu.vector_load %arg11[%swap3A_670] {strides = array<i32>} : memref<512xi32, #tpu.memory_space<vmem>>, vector<16xi32>,
    %swap3A_672 = vector.shape_cast %swap3A_671 : vector<16xi32> to vector<16xi32>
    %swap3A_673 = vector.shape_cast %sub3A_669 : vector<16xi32> to vector<16xi32>
    tpu.vector_store %arg11[%swap3A_670], %swap3A_673 {strides = array<i32>} : memref<512xi32, #tpu.memory_space<vmem>>, vector<16xi32>,
    %get3A_674 = arith.constant 480 : index
    %get3A_675 = tpu.vector_load %arg8[%get3A_674] {strides = array<i32>} : memref<512xi32, #tpu.memory_space<vmem>>, vector<16xi32>,
    %get3A_676 = vector.shape_cast %get3A_675 : vector<16xi32> to vector<16xi32>
    %sub3A_677 = vector.broadcast %mul3A_405 : i32 to vector<16xi32>
    %sub3A_678 = arith.subi %get3A_676, %sub3A_677 : vector<16xi32>
    %swap3A_679 = arith.constant 480 : index
    %swap3A_680 = tpu.vector_load %arg11[%swap3A_679] {strides = array<i32>} : memref<512xi32, #tpu.memory_space<vmem>>, vector<16xi32>,
    %swap3A_681 = vector.shape_cast %swap3A_680 : vector<16xi32> to vector<16xi32>
    %swap3A_682 = vector.shape_cast %sub3A_678 : vector<16xi32> to vector<16xi32>
    tpu.vector_store %arg11[%swap3A_679], %swap3A_682 {strides = array<i32>} : memref<512xi32, #tpu.memory_space<vmem>>, vector<16xi32>,
    %get3A_683 = arith.constant 496 : index
    %get3A_684 = tpu.vector_load %arg8[%get3A_683] {strides = array<i32>} : memref<512xi32, #tpu.memory_space<vmem>>, vector<16xi32>,
    %get3A_685 = vector.shape_cast %get3A_684 : vector<16xi32> to vector<16xi32>
    %sub3A_686 = vector.broadcast %mul3A_405 : i32 to vector<16xi32>
    %sub3A_687 = arith.subi %get3A_685, %sub3A_686 : vector<16xi32>
    %swap3A_688 = arith.constant 496 : index
    %swap3A_689 = tpu.vector_load %arg11[%swap3A_688] {strides = array<i32>} : memref<512xi32, #tpu.memory_space<vmem>>, vector<16xi32>,
    %swap3A_690 = vector.shape_cast %swap3A_689 : vector<16xi32> to vector<16xi32>
    %swap3A_691 = vector.shape_cast %sub3A_687 : vector<16xi32> to vector<16xi32>
    tpu.vector_store %arg11[%swap3A_688], %swap3A_691 {strides = array<i32>} : memref<512xi32, #tpu.memory_space<vmem>>, vector<16xi32>,
    %dma_start3A_692 = tpu.memref_slice %arg7[%select_n3A, %mul3A_34] : memref<8x2048xi32, #tpu.memory_space<hbm>> -> memref<1x512xi32, #tpu.memory_space<hbm>>
    %dma_start3A_693 = tpu.memref_squeeze %dma_start3A_692 : memref<1x512xi32, #tpu.memory_space<hbm>> -> memref<512xi32, #tpu.memory_space<hbm>>
    %dma_start3A_694 = tpu.memref_slice %arg7[%select_n3A, %mul3A_34] : memref<8x2048xi32, #tpu.memory_space<hbm>> -> memref<1x512xi32, #tpu.memory_space<hbm>>
    %dma_start3A_695 = tpu.memref_squeeze %dma_start3A_694 : memref<1x512xi32, #tpu.memory_space<hbm>> -> memref<512xi32, #tpu.memory_space<hbm>>
    tpu.enqueue_dma source(%arg11 : memref<512xi32, #tpu.memory_space<vmem>>) target(%dma_start3A_695 : memref<512xi32, #tpu.memory_space<hbm>>) target_semaphore(%arg15 : memref<!tpu.dma_semaphore, #tpu.memory_space<semaphore_mem>>)
    %dma_start3A_696 = arith.constant 0 : i32
    %dma_start3A_697 = tpu.memref_slice %arg10[%dma_start3A_696] : memref<512xi32, #tpu.memory_space<vmem>> -> memref<64xi32, #tpu.memory_space<vmem>>
    %dma_start3A_698 = arith.constant 0 : i32
    %dma_start3A_699 = tpu.memref_slice %arg8[%dma_start3A_698] : memref<512xi32, #tpu.memory_space<vmem>> -> memref<64xi32, #tpu.memory_space<vmem>>
    %dma_start3A_700 = arith.constant 0 : i32
    %dma_start3A_701 = tpu.memref_slice %arg3[%dma_start3A_700] : memref<16384xi32, #tpu.memory_space<hbm>> -> memref<16384xi32, #tpu.memory_space<hbm>>
    tpu.enqueue_indirect_dma source(%dma_start3A_701 : memref<16384xi32, #tpu.memory_space<hbm>>) target(%dma_start3A_697 : memref<64xi32, #tpu.memory_space<vmem>>) offsets(%dma_start3A_699 : memref<64xi32, #tpu.memory_space<vmem>>) semaphore(%arg14 : memref<!tpu.dma_semaphore, #tpu.memory_space<semaphore_mem>>)
    %dma_start3A_702 = arith.constant 64 : i32
    %dma_start3A_703 = tpu.memref_slice %arg10[%dma_start3A_702] : memref<512xi32, #tpu.memory_space<vmem>> -> memref<64xi32, #tpu.memory_space<vmem>>
    %dma_start3A_704 = arith.constant 64 : i32
    %dma_start3A_705 = tpu.memref_slice %arg8[%dma_start3A_704] : memref<512xi32, #tpu.memory_space<vmem>> -> memref<64xi32, #tpu.memory_space<vmem>>
    %dma_start3A_706 = arith.constant 0 : i32
    %dma_start3A_707 = tpu.memref_slice %arg3[%dma_start3A_706] : memref<16384xi32, #tpu.memory_space<hbm>> -> memref<16384xi32, #tpu.memory_space<hbm>>
    tpu.enqueue_indirect_dma source(%dma_start3A_707 : memref<16384xi32, #tpu.memory_space<hbm>>) target(%dma_start3A_703 : memref<64xi32, #tpu.memory_space<vmem>>) offsets(%dma_start3A_705 : memref<64xi32, #tpu.memory_space<vmem>>) semaphore(%arg14 : memref<!tpu.dma_semaphore, #tpu.memory_space<semaphore_mem>>)
    %dma_start3A_708 = arith.constant 128 : i32
    %dma_start3A_709 = tpu.memref_slice %arg10[%dma_start3A_708] : memref<512xi32, #tpu.memory_space<vmem>> -> memref<64xi32, #tpu.memory_space<vmem>>
    %dma_start3A_710 = arith.constant 128 : i32
    %dma_start3A_711 = tpu.memref_slice %arg8[%dma_start3A_710] : memref<512xi32, #tpu.memory_space<vmem>> -> memref<64xi32, #tpu.memory_space<vmem>>
    %dma_start3A_712 = arith.constant 0 : i32
    %dma_start3A_713 = tpu.memref_slice %arg3[%dma_start3A_712] : memref<16384xi32, #tpu.memory_space<hbm>> -> memref<16384xi32, #tpu.memory_space<hbm>>
    tpu.enqueue_indirect_dma source(%dma_start3A_713 : memref<16384xi32, #tpu.memory_space<hbm>>) target(%dma_start3A_709 : memref<64xi32, #tpu.memory_space<vmem>>) offsets(%dma_start3A_711 : memref<64xi32, #tpu.memory_space<vmem>>) semaphore(%arg14 : memref<!tpu.dma_semaphore, #tpu.memory_space<semaphore_mem>>)
    %dma_start3A_714 = arith.constant 192 : i32
    %dma_start3A_715 = tpu.memref_slice %arg10[%dma_start3A_714] : memref<512xi32, #tpu.memory_space<vmem>> -> memref<64xi32, #tpu.memory_space<vmem>>
    %dma_start3A_716 = arith.constant 192 : i32
    %dma_start3A_717 = tpu.memref_slice %arg8[%dma_start3A_716] : memref<512xi32, #tpu.memory_space<vmem>> -> memref<64xi32, #tpu.memory_space<vmem>>
    %dma_start3A_718 = arith.constant 0 : i32
    %dma_start3A_719 = tpu.memref_slice %arg3[%dma_start3A_718] : memref<16384xi32, #tpu.memory_space<hbm>> -> memref<16384xi32, #tpu.memory_space<hbm>>
    tpu.enqueue_indirect_dma source(%dma_start3A_719 : memref<16384xi32, #tpu.memory_space<hbm>>) target(%dma_start3A_715 : memref<64xi32, #tpu.memory_space<vmem>>) offsets(%dma_start3A_717 : memref<64xi32, #tpu.memory_space<vmem>>) semaphore(%arg14 : memref<!tpu.dma_semaphore, #tpu.memory_space<semaphore_mem>>)
    %dma_start3A_720 = arith.constant 256 : i32
    %dma_start3A_721 = tpu.memref_slice %arg10[%dma_start3A_720] : memref<512xi32, #tpu.memory_space<vmem>> -> memref<64xi32, #tpu.memory_space<vmem>>
    %dma_start3A_722 = arith.constant 256 : i32
    %dma_start3A_723 = tpu.memref_slice %arg8[%dma_start3A_722] : memref<512xi32, #tpu.memory_space<vmem>> -> memref<64xi32, #tpu.memory_space<vmem>>
    %dma_start3A_724 = arith.constant 0 : i32
    %dma_start3A_725 = tpu.memref_slice %arg3[%dma_start3A_724] : memref<16384xi32, #tpu.memory_space<hbm>> -> memref<16384xi32, #tpu.memory_space<hbm>>
    tpu.enqueue_indirect_dma source(%dma_start3A_725 : memref<16384xi32, #tpu.memory_space<hbm>>) target(%dma_start3A_721 : memref<64xi32, #tpu.memory_space<vmem>>) offsets(%dma_start3A_723 : memref<64xi32, #tpu.memory_space<vmem>>) semaphore(%arg14 : memref<!tpu.dma_semaphore, #tpu.memory_space<semaphore_mem>>)
    %dma_start3A_726 = arith.constant 320 : i32
    %dma_start3A_727 = tpu.memref_slice %arg10[%dma_start3A_726] : memref<512xi32, #tpu.memory_space<vmem>> -> memref<64xi32, #tpu.memory_space<vmem>>
    %dma_start3A_728 = arith.constant 320 : i32
    %dma_start3A_729 = tpu.memref_slice %arg8[%dma_start3A_728] : memref<512xi32, #tpu.memory_space<vmem>> -> memref<64xi32, #tpu.memory_space<vmem>>
    %dma_start3A_730 = arith.constant 0 : i32
    %dma_start3A_731 = tpu.memref_slice %arg3[%dma_start3A_730] : memref<16384xi32, #tpu.memory_space<hbm>> -> memref<16384xi32, #tpu.memory_space<hbm>>
    tpu.enqueue_indirect_dma source(%dma_start3A_731 : memref<16384xi32, #tpu.memory_space<hbm>>) target(%dma_start3A_727 : memref<64xi32, #tpu.memory_space<vmem>>) offsets(%dma_start3A_729 : memref<64xi32, #tpu.memory_space<vmem>>) semaphore(%arg14 : memref<!tpu.dma_semaphore, #tpu.memory_space<semaphore_mem>>)
    %dma_start3A_732 = arith.constant 384 : i32
    %dma_start3A_733 = tpu.memref_slice %arg10[%dma_start3A_732] : memref<512xi32, #tpu.memory_space<vmem>> -> memref<64xi32, #tpu.memory_space<vmem>>
    %dma_start3A_734 = arith.constant 384 : i32
    %dma_start3A_735 = tpu.memref_slice %arg8[%dma_start3A_734] : memref<512xi32, #tpu.memory_space<vmem>> -> memref<64xi32, #tpu.memory_space<vmem>>
    %dma_start3A_736 = arith.constant 0 : i32
    %dma_start3A_737 = tpu.memref_slice %arg3[%dma_start3A_736] : memref<16384xi32, #tpu.memory_space<hbm>> -> memref<16384xi32, #tpu.memory_space<hbm>>
    tpu.enqueue_indirect_dma source(%dma_start3A_737 : memref<16384xi32, #tpu.memory_space<hbm>>) target(%dma_start3A_733 : memref<64xi32, #tpu.memory_space<vmem>>) offsets(%dma_start3A_735 : memref<64xi32, #tpu.memory_space<vmem>>) semaphore(%arg14 : memref<!tpu.dma_semaphore, #tpu.memory_space<semaphore_mem>>)
    %dma_start3A_738 = arith.constant 448 : i32
    %dma_start3A_739 = tpu.memref_slice %arg10[%dma_start3A_738] : memref<512xi32, #tpu.memory_space<vmem>> -> memref<64xi32, #tpu.memory_space<vmem>>
    %dma_start3A_740 = arith.constant 448 : i32
    %dma_start3A_741 = tpu.memref_slice %arg8[%dma_start3A_740] : memref<512xi32, #tpu.memory_space<vmem>> -> memref<64xi32, #tpu.memory_space<vmem>>
    %dma_start3A_742 = arith.constant 0 : i32
    %dma_start3A_743 = tpu.memref_slice %arg3[%dma_start3A_742] : memref<16384xi32, #tpu.memory_space<hbm>> -> memref<16384xi32, #tpu.memory_space<hbm>>
    tpu.enqueue_indirect_dma source(%dma_start3A_743 : memref<16384xi32, #tpu.memory_space<hbm>>) target(%dma_start3A_739 : memref<64xi32, #tpu.memory_space<vmem>>) offsets(%dma_start3A_741 : memref<64xi32, #tpu.memory_space<vmem>>) semaphore(%arg14 : memref<!tpu.dma_semaphore, #tpu.memory_space<semaphore_mem>>)
    %dma_wait3A_744 = arith.constant 2 : i32
    %dma_wait3A_745 = arith.constant 0 : i32
    %dma_wait3A_746 = arith.constant 0 : i32
    %dma_wait3A_747 = tpu.memref_slice %arg9[%dma_wait3A_744, %dma_wait3A_745, %dma_wait3A_746] : memref<3x64x512xf32, #tpu.memory_space<vmem>> -> memref<1x64x512xf32, #tpu.memory_space<vmem>>
    %dma_wait3A_748 = tpu.memref_squeeze %dma_wait3A_747 : memref<1x64x512xf32, #tpu.memory_space<vmem>> -> memref<64x512xf32, #tpu.memory_space<vmem>>
    %dma_wait3A_749 = arith.constant 0 : i32
    %dma_wait3A_750 = tpu.memref_slice %arg5[%select_n3A, %add3A_309, %dma_wait3A_749] : memref<8x2048x512xf32, #tpu.memory_space<hbm>> -> memref<1x64x512xf32, #tpu.memory_space<hbm>>
    %dma_wait3A_751 = tpu.memref_squeeze %dma_wait3A_750 : memref<1x64x512xf32, #tpu.memory_space<hbm>> -> memref<64x512xf32, #tpu.memory_space<hbm>>
    %dma_wait3A_752 = arith.constant 0 : i32
    %dma_wait3A_753 = tpu.memref_slice %arg5[%select_n3A, %add3A_309, %dma_wait3A_752] : memref<8x2048x512xf32, #tpu.memory_space<hbm>> -> memref<1x64x512xf32, #tpu.memory_space<hbm>>
    %dma_wait3A_754 = tpu.memref_squeeze %dma_wait3A_753 : memref<1x64x512xf32, #tpu.memory_space<hbm>> -> memref<64x512xf32, #tpu.memory_space<hbm>>
    %dma_wait3A_755 = arith.constant 0 : i32
    %dma_wait3A_756 = arith.constant 0 : i32
    %dma_wait3A_757 = tpu.memref_slice %arg9[%dma_wait3A_744, %dma_wait3A_755, %dma_wait3A_756] : memref<3x64x512xf32, #tpu.memory_space<vmem>> -> memref<1x64x512xf32, #tpu.memory_space<vmem>>
    %dma_wait3A_758 = tpu.memref_squeeze %dma_wait3A_757 : memref<1x64x512xf32, #tpu.memory_space<vmem>> -> memref<64x512xf32, #tpu.memory_space<vmem>>
    tpu.wait_dma2 semaphore(%arg13 : memref<!tpu.dma_semaphore, #tpu.memory_space<semaphore_mem>>) src(%dma_wait3A_758 : memref<64x512xf32, #tpu.memory_space<vmem>>) dst(%dma_wait3A_754 : memref<64x512xf32, #tpu.memory_space<hbm>>)
    %dma_wait3A_759 = arith.constant 0 : i32
    %dma_wait3A_760 = arith.constant 0 : i32
    %dma_wait3A_761 = arith.constant 0 : i32
    %dma_wait3A_762 = tpu.memref_slice %arg9[%dma_wait3A_759, %dma_wait3A_760, %dma_wait3A_761] : memref<3x64x512xf32, #tpu.memory_space<vmem>> -> memref<1x64x512xf32, #tpu.memory_space<vmem>>
    %dma_wait3A_763 = tpu.memref_squeeze %dma_wait3A_762 : memref<1x64x512xf32, #tpu.memory_space<vmem>> -> memref<64x512xf32, #tpu.memory_space<vmem>>
    %dma_wait3A_764 = arith.constant 0 : i32
    %dma_wait3A_765 = tpu.memref_slice %arg5[%select_n3A, %add3A_361, %dma_wait3A_764] : memref<8x2048x512xf32, #tpu.memory_space<hbm>> -> memref<1x64x512xf32, #tpu.memory_space<hbm>>
    %dma_wait3A_766 = tpu.memref_squeeze %dma_wait3A_765 : memref<1x64x512xf32, #tpu.memory_space<hbm>> -> memref<64x512xf32, #tpu.memory_space<hbm>>
    %dma_wait3A_767 = arith.constant 0 : i32
    %dma_wait3A_768 = tpu.memref_slice %arg5[%select_n3A, %add3A_361, %dma_wait3A_767] : memref<8x2048x512xf32, #tpu.memory_space<hbm>> -> memref<1x64x512xf32, #tpu.memory_space<hbm>>
    %dma_wait3A_769 = tpu.memref_squeeze %dma_wait3A_768 : memref<1x64x512xf32, #tpu.memory_space<hbm>> -> memref<64x512xf32, #tpu.memory_space<hbm>>
    %dma_wait3A_770 = arith.constant 0 : i32
    %dma_wait3A_771 = arith.constant 0 : i32
    %dma_wait3A_772 = tpu.memref_slice %arg9[%dma_wait3A_759, %dma_wait3A_770, %dma_wait3A_771] : memref<3x64x512xf32, #tpu.memory_space<vmem>> -> memref<1x64x512xf32, #tpu.memory_space<vmem>>
    %dma_wait3A_773 = tpu.memref_squeeze %dma_wait3A_772 : memref<1x64x512xf32, #tpu.memory_space<vmem>> -> memref<64x512xf32, #tpu.memory_space<vmem>>
    tpu.wait_dma2 semaphore(%arg13 : memref<!tpu.dma_semaphore, #tpu.memory_space<semaphore_mem>>) src(%dma_wait3A_773 : memref<64x512xf32, #tpu.memory_space<vmem>>) dst(%dma_wait3A_769 : memref<64x512xf32, #tpu.memory_space<hbm>>)
    %dma_wait3A_774 = arith.constant 1 : i32
    %dma_wait3A_775 = arith.constant 0 : i32
    %dma_wait3A_776 = arith.constant 0 : i32
    %dma_wait3A_777 = tpu.memref_slice %arg9[%dma_wait3A_774, %dma_wait3A_775, %dma_wait3A_776] : memref<3x64x512xf32, #tpu.memory_space<vmem>> -> memref<1x64x512xf32, #tpu.memory_space<vmem>>
    %dma_wait3A_778 = tpu.memref_squeeze %dma_wait3A_777 : memref<1x64x512xf32, #tpu.memory_space<vmem>> -> memref<64x512xf32, #tpu.memory_space<vmem>>
    %dma_wait3A_779 = arith.constant 0 : i32
    %dma_wait3A_780 = tpu.memref_slice %arg5[%select_n3A, %add3A_388, %dma_wait3A_779] : memref<8x2048x512xf32, #tpu.memory_space<hbm>> -> memref<1x64x512xf32, #tpu.memory_space<hbm>>
    %dma_wait3A_781 = tpu.memref_squeeze %dma_wait3A_780 : memref<1x64x512xf32, #tpu.memory_space<hbm>> -> memref<64x512xf32, #tpu.memory_space<hbm>>
    %dma_wait3A_782 = arith.constant 0 : i32
    %dma_wait3A_783 = tpu.memref_slice %arg5[%select_n3A, %add3A_388, %dma_wait3A_782] : memref<8x2048x512xf32, #tpu.memory_space<hbm>> -> memref<1x64x512xf32, #tpu.memory_space<hbm>>
    %dma_wait3A_784 = tpu.memref_squeeze %dma_wait3A_783 : memref<1x64x512xf32, #tpu.memory_space<hbm>> -> memref<64x512xf32, #tpu.memory_space<hbm>>
    %dma_wait3A_785 = arith.constant 0 : i32
    %dma_wait3A_786 = arith.constant 0 : i32
    %dma_wait3A_787 = tpu.memref_slice %arg9[%dma_wait3A_774, %dma_wait3A_785, %dma_wait3A_786] : memref<3x64x512xf32, #tpu.memory_space<vmem>> -> memref<1x64x512xf32, #tpu.memory_space<vmem>>
    %dma_wait3A_788 = tpu.memref_squeeze %dma_wait3A_787 : memref<1x64x512xf32, #tpu.memory_space<vmem>> -> memref<64x512xf32, #tpu.memory_space<vmem>>
    tpu.wait_dma2 semaphore(%arg13 : memref<!tpu.dma_semaphore, #tpu.memory_space<semaphore_mem>>) src(%dma_wait3A_788 : memref<64x512xf32, #tpu.memory_space<vmem>>) dst(%dma_wait3A_784 : memref<64x512xf32, #tpu.memory_space<hbm>>)
    %dma_wait3A_789 = arith.constant 0 : i32
    %dma_wait3A_790 = tpu.memref_slice %arg10[%dma_wait3A_789] : memref<512xi32, #tpu.memory_space<vmem>> -> memref<64xi32, #tpu.memory_space<vmem>>
    %dma_wait3A_791 = arith.constant 0 : i32
    %dma_wait3A_792 = tpu.memref_slice %arg8[%dma_wait3A_791] : memref<512xi32, #tpu.memory_space<vmem>> -> memref<64xi32, #tpu.memory_space<vmem>>
    %dma_wait3A_793 = arith.constant 0 : i32
    %dma_wait3A_794 = tpu.memref_slice %arg3[%dma_wait3A_793] : memref<16384xi32, #tpu.memory_space<hbm>> -> memref<16384xi32, #tpu.memory_space<hbm>>
    tpu.wait_indirect_dma semaphore(%arg14 : memref<!tpu.dma_semaphore, #tpu.memory_space<semaphore_mem>>) src(%dma_wait3A_794 : memref<16384xi32, #tpu.memory_space<hbm>>) dst(%dma_wait3A_790 : memref<64xi32, #tpu.memory_space<vmem>>)
    %dma_wait3A_795 = arith.constant 64 : i32
    %dma_wait3A_796 = tpu.memref_slice %arg10[%dma_wait3A_795] : memref<512xi32, #tpu.memory_space<vmem>> -> memref<64xi32, #tpu.memory_space<vmem>>
    %dma_wait3A_797 = arith.constant 64 : i32
    %dma_wait3A_798 = tpu.memref_slice %arg8[%dma_wait3A_797] : memref<512xi32, #tpu.memory_space<vmem>> -> memref<64xi32, #tpu.memory_space<vmem>>
    %dma_wait3A_799 = arith.constant 0 : i32
    %dma_wait3A_800 = tpu.memref_slice %arg3[%dma_wait3A_799] : memref<16384xi32, #tpu.memory_space<hbm>> -> memref<16384xi32, #tpu.memory_space<hbm>>
    tpu.wait_indirect_dma semaphore(%arg14 : memref<!tpu.dma_semaphore, #tpu.memory_space<semaphore_mem>>) src(%dma_wait3A_800 : memref<16384xi32, #tpu.memory_space<hbm>>) dst(%dma_wait3A_796 : memref<64xi32, #tpu.memory_space<vmem>>)
    %dma_wait3A_801 = arith.constant 128 : i32
    %dma_wait3A_802 = tpu.memref_slice %arg10[%dma_wait3A_801] : memref<512xi32, #tpu.memory_space<vmem>> -> memref<64xi32, #tpu.memory_space<vmem>>
    %dma_wait3A_803 = arith.constant 128 : i32
    %dma_wait3A_804 = tpu.memref_slice %arg8[%dma_wait3A_803] : memref<512xi32, #tpu.memory_space<vmem>> -> memref<64xi32, #tpu.memory_space<vmem>>
    %dma_wait3A_805 = arith.constant 0 : i32
    %dma_wait3A_806 = tpu.memref_slice %arg3[%dma_wait3A_805] : memref<16384xi32, #tpu.memory_space<hbm>> -> memref<16384xi32, #tpu.memory_space<hbm>>
    tpu.wait_indirect_dma semaphore(%arg14 : memref<!tpu.dma_semaphore, #tpu.memory_space<semaphore_mem>>) src(%dma_wait3A_806 : memref<16384xi32, #tpu.memory_space<hbm>>) dst(%dma_wait3A_802 : memref<64xi32, #tpu.memory_space<vmem>>)
    %dma_wait3A_807 = arith.constant 192 : i32
    %dma_wait3A_808 = tpu.memref_slice %arg10[%dma_wait3A_807] : memref<512xi32, #tpu.memory_space<vmem>> -> memref<64xi32, #tpu.memory_space<vmem>>
    %dma_wait3A_809 = arith.constant 192 : i32
    %dma_wait3A_810 = tpu.memref_slice %arg8[%dma_wait3A_809] : memref<512xi32, #tpu.memory_space<vmem>> -> memref<64xi32, #tpu.memory_space<vmem>>
    %dma_wait3A_811 = arith.constant 0 : i32
    %dma_wait3A_812 = tpu.memref_slice %arg3[%dma_wait3A_811] : memref<16384xi32, #tpu.memory_space<hbm>> -> memref<16384xi32, #tpu.memory_space<hbm>>
    tpu.wait_indirect_dma semaphore(%arg14 : memref<!tpu.dma_semaphore, #tpu.memory_space<semaphore_mem>>) src(%dma_wait3A_812 : memref<16384xi32, #tpu.memory_space<hbm>>) dst(%dma_wait3A_808 : memref<64xi32, #tpu.memory_space<vmem>>)
    %dma_wait3A_813 = arith.constant 256 : i32
    %dma_wait3A_814 = tpu.memref_slice %arg10[%dma_wait3A_813] : memref<512xi32, #tpu.memory_space<vmem>> -> memref<64xi32, #tpu.memory_space<vmem>>
    %dma_wait3A_815 = arith.constant 256 : i32
    %dma_wait3A_816 = tpu.memref_slice %arg8[%dma_wait3A_815] : memref<512xi32, #tpu.memory_space<vmem>> -> memref<64xi32, #tpu.memory_space<vmem>>
    %dma_wait3A_817 = arith.constant 0 : i32
    %dma_wait3A_818 = tpu.memref_slice %arg3[%dma_wait3A_817] : memref<16384xi32, #tpu.memory_space<hbm>> -> memref<16384xi32, #tpu.memory_space<hbm>>
    tpu.wait_indirect_dma semaphore(%arg14 : memref<!tpu.dma_semaphore, #tpu.memory_space<semaphore_mem>>) src(%dma_wait3A_818 : memref<16384xi32, #tpu.memory_space<hbm>>) dst(%dma_wait3A_814 : memref<64xi32, #tpu.memory_space<vmem>>)
    %dma_wait3A_819 = arith.constant 320 : i32
    %dma_wait3A_820 = tpu.memref_slice %arg10[%dma_wait3A_819] : memref<512xi32, #tpu.memory_space<vmem>> -> memref<64xi32, #tpu.memory_space<vmem>>
    %dma_wait3A_821 = arith.constant 320 : i32
    %dma_wait3A_822 = tpu.memref_slice %arg8[%dma_wait3A_821] : memref<512xi32, #tpu.memory_space<vmem>> -> memref<64xi32, #tpu.memory_space<vmem>>
    %dma_wait3A_823 = arith.constant 0 : i32
    %dma_wait3A_824 = tpu.memref_slice %arg3[%dma_wait3A_823] : memref<16384xi32, #tpu.memory_space<hbm>> -> memref<16384xi32, #tpu.memory_space<hbm>>
    tpu.wait_indirect_dma semaphore(%arg14 : memref<!tpu.dma_semaphore, #tpu.memory_space<semaphore_mem>>) src(%dma_wait3A_824 : memref<16384xi32, #tpu.memory_space<hbm>>) dst(%dma_wait3A_820 : memref<64xi32, #tpu.memory_space<vmem>>)
    %dma_wait3A_825 = arith.constant 384 : i32
    %dma_wait3A_826 = tpu.memref_slice %arg10[%dma_wait3A_825] : memref<512xi32, #tpu.memory_space<vmem>> -> memref<64xi32, #tpu.memory_space<vmem>>
    %dma_wait3A_827 = arith.constant 384 : i32
    %dma_wait3A_828 = tpu.memref_slice %arg8[%dma_wait3A_827] : memref<512xi32, #tpu.memory_space<vmem>> -> memref<64xi32, #tpu.memory_space<vmem>>
    %dma_wait3A_829 = arith.constant 0 : i32
    %dma_wait3A_830 = tpu.memref_slice %arg3[%dma_wait3A_829] : memref<16384xi32, #tpu.memory_space<hbm>> -> memref<16384xi32, #tpu.memory_space<hbm>>
    tpu.wait_indirect_dma semaphore(%arg14 : memref<!tpu.dma_semaphore, #tpu.memory_space<semaphore_mem>>) src(%dma_wait3A_830 : memref<16384xi32, #tpu.memory_space<hbm>>) dst(%dma_wait3A_826 : memref<64xi32, #tpu.memory_space<vmem>>)
    %dma_wait3A_831 = arith.constant 448 : i32
    %dma_wait3A_832 = tpu.memref_slice %arg10[%dma_wait3A_831] : memref<512xi32, #tpu.memory_space<vmem>> -> memref<64xi32, #tpu.memory_space<vmem>>
    %dma_wait3A_833 = arith.constant 448 : i32
    %dma_wait3A_834 = tpu.memref_slice %arg8[%dma_wait3A_833] : memref<512xi32, #tpu.memory_space<vmem>> -> memref<64xi32, #tpu.memory_space<vmem>>
    %dma_wait3A_835 = arith.constant 0 : i32
    %dma_wait3A_836 = tpu.memref_slice %arg3[%dma_wait3A_835] : memref<16384xi32, #tpu.memory_space<hbm>> -> memref<16384xi32, #tpu.memory_space<hbm>>
    tpu.wait_indirect_dma semaphore(%arg14 : memref<!tpu.dma_semaphore, #tpu.memory_space<semaphore_mem>>) src(%dma_wait3A_836 : memref<16384xi32, #tpu.memory_space<hbm>>) dst(%dma_wait3A_832 : memref<64xi32, #tpu.memory_space<vmem>>)
    "tpu.region"() ({
      %run_scoped3A = tpu.sem_alloc : memref<!tpu.dma_semaphore, #tpu.memory_space<semaphore_mem>>
      %dma_start3A_841 = tpu.memref_slice %arg6[%select_n3A, %mul3A_34] : memref<8x2048xi32, #tpu.memory_space<hbm>> -> memref<1x512xi32, #tpu.memory_space<hbm>>
      %dma_start3A_842 = tpu.memref_squeeze %dma_start3A_841 : memref<1x512xi32, #tpu.memory_space<hbm>> -> memref<512xi32, #tpu.memory_space<hbm>>
      %dma_start3A_843 = tpu.memref_slice %arg6[%select_n3A, %mul3A_34] : memref<8x2048xi32, #tpu.memory_space<hbm>> -> memref<1x512xi32, #tpu.memory_space<hbm>>
      %dma_start3A_844 = tpu.memref_squeeze %dma_start3A_843 : memref<1x512xi32, #tpu.memory_space<hbm>> -> memref<512xi32, #tpu.memory_space<hbm>>
      tpu.enqueue_dma source(%arg10 : memref<512xi32, #tpu.memory_space<vmem>>) target(%dma_start3A_844 : memref<512xi32, #tpu.memory_space<hbm>>) target_semaphore(%run_scoped3A : memref<!tpu.dma_semaphore, #tpu.memory_space<semaphore_mem>>)
      %dma_wait3A_845 = tpu.memref_slice %arg6[%select_n3A, %mul3A_34] : memref<8x2048xi32, #tpu.memory_space<hbm>> -> memref<1x512xi32, #tpu.memory_space<hbm>>
      %dma_wait3A_846 = tpu.memref_squeeze %dma_wait3A_845 : memref<1x512xi32, #tpu.memory_space<hbm>> -> memref<512xi32, #tpu.memory_space<hbm>>
      %dma_wait3A_847 = tpu.memref_slice %arg6[%select_n3A, %mul3A_34] : memref<8x2048xi32, #tpu.memory_space<hbm>> -> memref<1x512xi32, #tpu.memory_space<hbm>>
      %dma_wait3A_848 = tpu.memref_squeeze %dma_wait3A_847 : memref<1x512xi32, #tpu.memory_space<hbm>> -> memref<512xi32, #tpu.memory_space<hbm>>
      tpu.wait_dma2 semaphore(%run_scoped3A : memref<!tpu.dma_semaphore, #tpu.memory_space<semaphore_mem>>) src(%arg10 : memref<512xi32, #tpu.memory_space<vmem>>) dst(%dma_wait3A_848 : memref<512xi32, #tpu.memory_space<hbm>>)
      tpu.yield
    }) : () -> ()
    %dma_wait3A_837 = tpu.memref_slice %arg7[%select_n3A, %mul3A_34] : memref<8x2048xi32, #tpu.memory_space<hbm>> -> memref<1x512xi32, #tpu.memory_space<hbm>>
    %dma_wait3A_838 = tpu.memref_squeeze %dma_wait3A_837 : memref<1x512xi32, #tpu.memory_space<hbm>> -> memref<512xi32, #tpu.memory_space<hbm>>
    %dma_wait3A_839 = tpu.memref_slice %arg7[%select_n3A, %mul3A_34] : memref<8x2048xi32, #tpu.memory_space<hbm>> -> memref<1x512xi32, #tpu.memory_space<hbm>>
    %dma_wait3A_840 = tpu.memref_squeeze %dma_wait3A_839 : memref<1x512xi32, #tpu.memory_space<hbm>> -> memref<512xi32, #tpu.memory_space<hbm>>
    tpu.wait_dma2 semaphore(%arg15 : memref<!tpu.dma_semaphore, #tpu.memory_space<semaphore_mem>>) src(%arg11 : memref<512xi32, #tpu.memory_space<vmem>>) dst(%dma_wait3A_840 : memref<512xi32, #tpu.memory_space<hbm>>)
    return
  }
}

</mosaic_0001>

<sc_bundles>
// kernel: kernel.3.cloned.1.call-start
scs
__scs_entry_jumppad:
0x0: {  	(pc) =	sbr.rel $0x88, $3  }
0x1: {  	(tag) =	ssettag $0x0;
	lr =	simm.s32 $0x1  }
0x2: {  	[smem:$0x3F9F] =	sst lr;
	_ =	strace $0xD0000000  }
0x3: {  	_ = 	snop  }
0x4: {  	_ = 	snop  }
0x5: {  	_ = 	snop  }
0x6: {  	_ = 	snop  }
0x7: {  	_ = 	snop  }
__scs_overlays_trampoline_lowered:
0x8: {  	[smem:$0x3FAE] =	sst s0  }
0x9: {  	[smem:$0x3FAF] =	sst s1  }
0xa: {  	[smem:$0x3FB0] =	sst s2  }
0xb: {  	[smem:$0x3FB1] =	sst s3  }
0xc: {  	[smem:$0x3FB2] =	sst s4  }
0xd: {  	[smem:$0x3FB3] =	sst s5  }
0xe: {  	[smem:$0x3FB4] =	sst s6  }
0xf: {  	[smem:$0x3FB5] =	sst s7  }
0x10: {  	[smem:$0x3FB6] =	sst s8  }
0x11: {  	[smem:$0x3FB7] =	sst s9;
	s0 =	simm.s32 @!p0 $0x0  }
0x12: {  	s1 =	sld [smem:$0x3F9D];
	s0 =	simm.s32 @p0 $0x1  }
0x13: {  	[smem:$0x3FB8] =	sst s0;
	s0 =	simm.s32 @!p1 $0x0  }
0x14: {  	s2 =	sld [smem:$0x3F9C];
	s0 =	simm.s32 @p1 $0x1  }
0x15: {  	[smem:$0x3FB9] =	sst s0;
	s0 =	simm.s32 @!p2 $0x0  }
0x16: {  	s3 =	sld [smem:$0x3FDB];
	s0 =	simm.s32 @p2 $0x1  }
0x17: {  	s4 =	simm.s32 $0x1BF5;
	[smem:$0x3FBB] =	sst s0  }
0x18: {  	s0 =	sld [smem:$0x3F9E];
	_ =	swait.ge [sflag:s4], $0x0  }
0x19: {  	s7 =	sld [smem:$0x3F9F]  }
0x1a: {  	s8 =	sadd.s32 $0xFFFFE003, lr  }
0x1b: {  	s9 =	sadd.s32 $0xFFFFFEF7, lr;
	s5 =	simm.s32 $0xFFFFFFFF;
	p2 =	slt.u32 s8, $0xFFFFF086  }
0x1c: {  	p1 =	slt.u32 s9, $0xF7A;
	s5 =	simm.s32 @!p2 $0x0  }
0x1d: {  	s5 =	simm.s32 @p1 $0x1;
	p0 =	seq.s32 s7, s2  }
0x1e: {  	s7 =	smul.u32 @!p0 $0xF7A, s2;
	p2 =	seq.s32 @!p0 s5, $0x0  }
0x1f: {  	s9 =	smul.u32 $0xF7A, s1;
	s8 =	simm.s32 @!p0 $0x1BF5;
	p2 =	por !p2, p0  }
0x20: {  	[sflag:s8] =	ssyncset.s32 @!p0 $0xFFFFF086;
	s6 =	sadd.s32 @!p0 s3, s7;
	s7 =	simm.s32 @!p0 $0x108  }
0x21: {  	s3 =	sadd.s32 s3, s9;
	s6 =	sadd.s32 @!p0 $0x88, s6;
	s7 =	simm.s32 @p2 $0x1082  }
0x22: {  	[simem:s7], [sflag:s8] =	dma.local @!p0 [hbm:s6], $0xF7A  }
0x23: {  	s9 =	sor.u32 $0xD0000000, s2;
	s6 =	simm.s32 $0x108;
	_ =	swait.ge @!p0 [sflag:s8], $0x0  }
0x24: {  	s3 =	sadd.s32 $0x88, s3;
	s6 =	simm.s32 @!p1 $0x1082;
	[sflag:s4] =	ssyncset.s32 $0xFFFFF086  }
0x25: {  	[simem:s6], [sflag:s4] =	dma.local [hbm:s3], $0xF7A  }
0x26: {  	[smem:$0x3F9F] =	sst s1;
	(tag) =	ssettag s2;
	_ =	strace s9  }
0x27: {  	s1 =	sld [smem:$0x3FAF]  }
0x28: {  	s2 =	sld [smem:$0x3FB0]  }
0x29: {  	s4 =	sld [smem:$0x3FB2]  }
0x2a: {  	p0 =	seq.s32 s5, $0x0;
	s5 =	sld [smem:$0x3FB3]  }
0x2b: {  	s6 =	sld [smem:$0x3FB4]  }
0x2c: {  	s7 =	sld [smem:$0x3FB5]  }
0x2d: {  	s3 =	simm.s32 $0x108;
	s8 =	sld [smem:$0x3FB6]  }
0x2e: {  	s3 =	simm.s32 @!p0 $0x1082;
	s9 =	sld [smem:$0x3FB7]  }
0x2f: {  	lr =	sadd.s32 s0, s3;
	s0 =	sld [smem:$0x3FAE]  }
0x30: {  	s3 =	sld [smem:$0x3FB1]  }
0x31: {  	[smem:$0x3FBA] =	sst s10  }
0x32: {  	s10 =	sld [smem:$0x3FB8];
	_ =	sdelay $0x3  }
0x33: {  	p0 =	seq.s32 s10, $0x1;
	s10 =	sld [smem:$0x3FBA];
	_ =	sdelay $0x3  }
0x34: {  	[smem:$0x3FBA] =	sst s10  }
0x35: {  	s10 =	sld [smem:$0x3FB9];
	_ =	sdelay $0x3  }
0x36: {  	p1 =	seq.s32 s10, $0x1;
	s10 =	sld [smem:$0x3FBA];
	_ =	sdelay $0x3  }
0x37: {  	[smem:$0x3FBA] =	sst s10  }
0x38: {  	s10 =	sld [smem:$0x3FBB]  }
0x39: {  	_ = 	snop;
	(pc) =	sbr.ind lr, $3  }
0x3a: {  	_ = 	snop  }
0x3b: {  	_ = 	snop  }
0x3c: {  	p2 =	seq.s32 s10, $0x1;
	s10 =	sld [smem:$0x3FBA]  }
0x3d: {  	_ =	shalt  }
0x3e: {  	_ =	shalt  }
0x3f: {  	_ =	shalt  }
0x40: {  	_ =	shalt  }
0x41: {  	_ =	shalt  }
0x42: {  	_ =	shalt  }
0x43: {  	_ =	shalt  }
0x44: {  	_ =	shalt  }
0x45: {  	_ =	shalt  }
0x46: {  	_ =	shalt  }
0x47: {  	_ =	shalt  }
0x48: {  	_ =	shalt  }
0x49: {  	_ =	shalt  }
0x4a: {  	_ =	shalt  }
0x4b: {  	_ =	shalt  }
0x4c: {  	_ =	shalt  }
0x4d: {  	_ =	shalt  }
0x4e: {  	_ =	shalt  }
0x4f: {  	_ =	shalt  }
0x50: {  	_ =	shalt  }
0x51: {  	_ =	shalt  }
0x52: {  	_ =	shalt  }
0x53: {  	_ =	shalt  }
0x54: {  	_ =	shalt  }
0x55: {  	_ =	shalt  }
0x56: {  	_ =	shalt  }
0x57: {  	_ =	shalt  }
0x58: {  	_ =	shalt  }
0x59: {  	_ =	shalt  }
0x5a: {  	_ =	shalt  }
0x5b: {  	_ =	shalt  }
0x5c: {  	_ =	shalt  }
0x5d: {  	_ =	shalt  }
0x5e: {  	_ =	shalt  }
0x5f: {  	_ =	shalt  }
0x60: {  	_ =	shalt  }
0x61: {  	_ =	shalt  }
0x62: {  	_ =	shalt  }
0x63: {  	_ =	shalt  }
0x64: {  	_ =	shalt  }
0x65: {  	_ =	shalt  }
0x66: {  	_ =	shalt  }
0x67: {  	_ =	shalt  }
0x68: {  	_ =	shalt  }
0x69: {  	_ =	shalt  }
0x6a: {  	_ =	shalt  }
0x6b: {  	_ =	shalt  }
0x6c: {  	_ =	shalt  }
0x6d: {  	_ =	shalt  }
0x6e: {  	_ =	shalt  }
0x6f: {  	_ =	shalt  }
0x70: {  	_ =	shalt  }
0x71: {  	_ =	shalt  }
0x72: {  	_ =	shalt  }
0x73: {  	_ =	shalt  }
0x74: {  	_ =	shalt  }
0x75: {  	_ =	shalt  }
0x76: {  	_ =	shalt  }
0x77: {  	_ =	shalt  }
0x78: {  	_ =	shalt  }
0x79: {  	_ =	shalt  }
0x7a: {  	_ =	shalt  }
0x7b: {  	_ =	shalt  }
0x7c: {  	_ =	shalt  }
0x7d: {  	_ =	shalt  }
0x7e: {  	_ =	shalt  }
0x7f: {  	_ =	shalt  }
0x80: {  	_ =	shalt  }
0x81: {  	_ =	shalt  }
0x82: {  	_ =	shalt  }
0x83: {  	_ =	shalt  }
0x84: {  	_ =	shalt  }
0x85: {  	_ =	shalt  }
0x86: {  	_ =	shalt  }
0x87: {  	_ =	shalt  }
.Lfunc_end0:
.L_simem_size_0:
called_computation_lowered:
.L_overlay_start_0:
0x88: {  	s2 =	sld [smem:$0x3FD9]  }
0x89: {  	s3 =	sld [smem:$0x3FFE];
	_ =	sdelay $0x1  }
0x8a: {  	s1 =	srdreg.scid  }
0x8b: {  	s0 =	sand.u32 $0x1, s1  }
0x8c: {  	s14 =	sshll.u32 s0, $0xA;
	s2 =	sadd.s32 s3, s2  }
0x8d: {  	s2 =	sadd.s32 s2, s14  }
0x8e: {  	[smem:$0x3FC6] =	sst s2  }
0x8f: {  	_ = 	snop  }
0x90: {  	s2 =	sld [smem:$0x3FD0];
	_ =	sdelay $0x2  }
0x91: {  	s4 =	simm.s32 $0xA;
	s5 =	simm.s32 $0x10;
	s15 =	sld [smem:$0x3FC9]  }
0x92: {  	[smem:s5], [sflag:s4] =	dma.local [hbm:s2], $0x1  }
0x93: {  	_ =	swait.eq [sflag:s4], $0x1  }
0x94: {  	s16 =	sld [smem:$0x10];
	[sflag:s4] =	ssyncset.done $0x0  }
0x95: {  	s17 =	sld [smem:$0x11];
	[sflag:s4] =	ssyncadd.s32 $0xFFFFFFFF  }
0x96: {  	s18 =	sld [smem:$0x12];
	(tm) =	ssettm $0x1  }
0x97: {  	s6 =	sld [smem:$0x3FFB];
	_ =	sdelay $0x3  }
0x98: {  	_ =	strace s6  }
0x99: {  	s6 =	sld [smem:$0x3FFC];
	_ =	sdelay $0x3  }
0x9a: {  	_ =	strace s6  }
0x9b: {  	s6 =	sld [smem:$0x3FFD];
	_ =	sdelay $0x3  }
0x9c: {  	_ =	strace s6  }
0x9d: {  	_ =	strace $0x8FFFFFFF  }
0x9e: {  	s19 =	sld [smem:$0x3FDB];
	_ =	sdelay $0x1  }
0x9f: {  	s7 =	simm.s32 $_scs_section_size  }
0xa0: {  	s8 =	simm.s32 $_size__tile_overlayer_lowered;
	s9 =	simm.s32 $_tile_overlayer_lowered  }
0xa1: {  	s22 =	simm.s32 $0x1BFF;
	s21 =	sshll.u32 s9, $0x1;
	s6 =	sadd.s32 s7, s19  }
0xa2: {  	s10 =	simm.s32 $0x0;
	s20 =	sshll.u32 s8, $0x1;
	s8 =	sadd.s32 s21, s6  }
0xa3: {  	[timem:s10], [sflag:s22] =	dma.local [hbm:s8], s20  }
0xa4: {  	_ =	swait.ge [sflag:s22], s20  }
0xa5: {  	s7 =	ssub.s32 $0x0, s20;
	[sflag:s22] =	ssyncset.done $0x0  }
0xa6: {  	[sflag:s22] =	ssyncadd.s32 s7;
	_ =	sdelay $0x1  }
0xa7: {  	s23 =	simm.s32 $0x1B8B  }
0xa8: {  	_ =	swait.ge [sflag:s23], $0x1  }
0xa9: {  	[sflag:s23] =	ssyncset.done $0x0  }
0xaa: {  	s25 =	simm.s32 $0x1B8E;
	s24 =	sld [smem:$0x3FFE];
	[sflag:s23] =	ssyncadd.s32 $0xFFFFFFFF  }
0xab: {  	s26 =	simm.s32 $execute0_lowered;
	[smem:$0x3FD2] =	sst s25  }
0xac: {  	s8 =	sshll.u32 s26, $0x1;
	_ =	strace $0x80000046;
	[dreg:$0x1] =	wrdreg $0xFFFFFFFF  }
0xad: {  	s28 =	simm.s32 $_size_execute0_lowered;
	s6 =	sadd.s32 s6, s8;
	[dreg:$0x0] =	wrdreg $0x0  }
0xae: {  	s8 =	sshll.u32 s28, $0x1;
	[dreg:$0x2] =	wrdreg s6  }
0xaf: {  	[dreg:$0x3] =	wrdreg s8  }
0xb0: {  	[dreg:$0x4] =	wrdreg $0xC0  }
0xb1: {  	_ =	task [dreg:s10], $0x5FFFF  }
0xb2: {  	[dreg:$0x1] =	wrdreg $0xFFFFFFFF  }
0xb3: {  	[dreg:$0x0] =	wrdreg $0x60  }
0xb4: {  	[dreg:$0x2] =	wrdreg s15  }
0xb5: {  	[dreg:$0x3] =	wrdreg s24  }
0xb6: {  	[dreg:$0x4] =	wrdreg s16  }
0xb7: {  	[dreg:$0x5] =	wrdreg s17  }
0xb8: {  	[dreg:$0x6] =	wrdreg s18  }
0xb9: {  	[dreg:$0x7] =	wrdreg $0x9  }
0xba: {  	_ =	task.clear_ibuf [dreg:s10], $0x8FFFF;
	_ =	strace $0x90000046  }
0xbb: {  	s29 =	simm.s32 $0x9;
	_ =	strace $0x80000048  }
0xbc: {  	_ =	swait.ge [sflag:s29], $0x1  }
0xbd: {  	[sflag:s29] =	ssyncadd.s32 $0xFFFFFFFF  }
0xbe: {  	_ =	strace $0x90000048  }
0xbf: {  	_ =	sfence  }
0xc0: {  	s30 =	sld [smem:$0x0];
	_ =	sdelay $0x2  }
0xc1: {  	s31 =	sshll.u32 s1, $0xD;
	s1 =	sshrl.u32 s1, $0x2  }
0xc2: {  	s3 =	sand.u32 $0x4000, s31;
	s1 =	sadd.s32 s1, s30  }
0xc3: {  	s0 =	sor.u32 s3, s0;
	s1 =	sshll.u32 s1, $0x11  }
0xc4: {  	s0 =	sor.u32 s1, s0  }
0xc5: {  	s0 =	sadd.s32 $0x8F2B, s0  }
0xc6: {  	[sflag:s0] =	ssyncadd.remote.s32 $0x1  }
0xc7: {  	_ =	sfence.sel $0xFFFF  }
0xc8: {  	[dreg:$0x0] =	wrdreg $0xFFFFFFFF;
	(pc) =	sbr.abs _section_cstart, $3  }
0xc9: {  	[dreg:$0x1] =	wrdreg $0xFFFFFFFF  }
0xca: {  	_ =	task.clear_ibuf [dreg:s10], $0x2FFFF;
	_ =	strace $0x9FFFFFFF  }
0xcb: {  	(tm) =	ssettm $0x7FFFFFFF  }
tec
execute0_lowered:
.L_overlay_start_1:
0x0: {  	(tag) =	ssettag $0x1  }
0x1: {  	s0 =	rddreg [dreg:$0x0]  }
0x2: {  	s1 =	rddreg [dreg:$0x1]  }
0x3: {  	s2 =	rddreg [dreg:$0x2]  }
0x4: {  	s4 =	rddreg [dreg:$0x3];
	s3 =	srdreg.scid  }
0x5: {  	s8 =	stileid.u32;
	s6 =	rddreg [dreg:$0x4]  }
0x6: {  	s15 =	simm.s32 $0x18400;
	s16 =	simm.s32 $0x18240;
	s17 =	simm.s32 $0x18280  }
0x7: {  	s18 =	simm.s32 $0xC0;
	s19 =	simm.s32 $0x182C0;
	s31 =	simm.s32 $0x40  }
0x8: {  	s30 =	simm.s32 $0x17A00;
	s7 =	sand.u32 $0x1, s3;
	s3 =	simm.s32 $0x0  }
0x9: {  	s20 =	sshll.u32 s8, $0x1;
	s8 =	sshrl.u32 s8, $0x1;
	[smem:$0x7FF] =	sst s3  }
0xa: {  	s5 =	sor.u32 s7, s20;
	_ =	strace $0x80000047;
	[dreg:$0x10] =	wrdreg s15  }
0xb: {  	s10 =	sshll.u32 s8, $0x11;
	s23 =	ssub.s32 $0x2, s7;
	[dreg:$0x11] =	wrdreg s16  }
0xc: {  	s29 =	sshll.u32 s8, $0x4;
	s20 =	sshll.u32 s8, $0xB;
	[dreg:$0x12] =	wrdreg s17  }
0xd: {  	s9 =	sand.u32 $0x3, s5;
	s5 =	sshll.u32 s5, $0x6;
	[dreg:$0x13] =	wrdreg s18  }
0xe: {  	s8 =	simm.s32 $0x11200;
	[dreg:$0x14] =	wrdreg s19;
	s5 =	sadd.s32 s5, s1  }
0xf: {  	s11 =	sshll.u32 s9, $0xF;
	s25 =	sshll.u32 s9, $0x9;
	s5 =	sadd.s32 $0xE00, s5  }
0x10: {  	s7 =	sor.u32 s29, s25;
	s25 =	simm.s32 $0x180;
	[dreg:$0x6] =	wrdreg s5  }
0x11: {  	s10 =	sor.u32 s10, s11;
	s29 =	simm.s32 $0x183C0;
	[dreg:$0x19] =	wrdreg s25  }
0x12: {  	s12 =	sshrl.u32 s23, $0x1;
	s10 =	sadd.s32 s2, s10;
	[dreg:$0x1c] =	wrdreg s29  }
0x13: {  	s17 =	simm.s32 $0x1;
	s13 =	sadd.s32 s6, s7;
	[dreg:$0x1d] =	wrdreg s10  }
0x14: {  	s19 =	simm.s32 $0x2;
	s14 =	sadd.s32 s4, s7;
	[dreg:$0xe] =	wrdreg s13  }
0x15: {  	s15 =	simm.s32 $0x14A00;
	s2 =	sadd.s32 $0x1000, s10;
	[dreg:$0xf] =	wrdreg s14  }
0x16: {  	s16 =	simm.s32 $0x15200;
	s21 =	sadd.s32 $0x2000, s10;
	[dreg:$0x7] =	wrdreg s2  }
0x17: {  	s18 =	simm.s32 $0x15A00;
	s22 =	sadd.s32 $0x3000, s10;
	[dreg:$0x8] =	wrdreg s21  }
0x18: {  	v0 =	vmov s20;
	s20 =	simm.s32 $0x16200;
	s24 =	sadd.s32 $0x4000, s10;
	[dreg:$0x9] =	wrdreg s22  }
0x19: {  	s9 =	simm.s32 $0x11A00;
	s26 =	sadd.s32 $0x5000, s10;
	[dreg:$0xa] =	wrdreg s24  }
0x1a: {  	s5 =	sadd.s32 $0x600, s1;
	s28 =	sadd.s32 $0x6000, s10;
	[dreg:$0xb] =	wrdreg s26  }
0x1b: {  	s6 =	sadd.s32 $0x100, s0;
	s11 =	sadd.s32 $0x7000, s10;
	[dreg:$0xc] =	wrdreg s28  }
0x1c: {  	s25 =	simm.s32 $0x200;
	[dreg:$0xd] =	wrdreg s11;
	s21 =	simm.s32 $0x100  }
0x1d: {  	s10 =	simm.s32 $0x12200;
	s22 =	simm.s32 $0x18300;
	[dreg:$0x15] =	wrdreg s21  }
0x1e: {  	s2 =	ssub.s32 s23, s12;
	s23 =	simm.s32 $0x140;
	[dreg:$0x16] =	wrdreg s22  }
0x1f: {  	s13 =	simm.s32 $0x13A00;
	s24 =	simm.s32 $0x18340;
	[dreg:$0x17] =	wrdreg s23  }
0x20: {  	s14 =	simm.s32 $0x14200;
	s26 =	simm.s32 $0x18380;
	[dreg:$0x18] =	wrdreg s24  }
0x21: {  	v3 =	vlaneseq.u32;
	s28 =	simm.s32 $0x1C0;
	s11 =	simm.s32 $0x12A00;
	[dreg:$0x1a] =	wrdreg s26  }
0x22: {  	vm0 =	vmmov $0xffff;
	v2 =	vshrl.u32 v3, $0x3;
	s12 =	simm.s32 $0x13200;
	s7 =	smax.u32 s2, $0x1;
	[dreg:$0x1b] =	wrdreg s28  }
0x23: {  	v1 =	vand.u32 $0x7, v3;
	v3 =	vor.u32 $0x8, v3;
	v2 =	vmul.u32 $0x8, v2;
	s22 =	simm.s32 $0x3;
	s21 =	simm.s32 $0x16A00;
	s23 =	simm.s32 $0x17200  }
.LBB2_1:
0x24: {  	s24 =	rddreg [dreg:$0x6];
	s1 =	simm.s32 $0x5  }
0x25: {  	[tilespmem:s3], [sflag:$0x5] =	stream.linear.gather [hbm4b:s24+s3], $0x200, $0x38;
	[tilespmem:$0x18600] =	vst v63  }
0x26: {  	_ =	swait.ge [sflag:s1], $0x200  }
0x27: {  	[sflag:s1] =	ssyncset.done $0x0  }
0x28: {  	[sflag:s1] =	ssyncadd.s32 $0xFFFFFE00  }
0x29: {  	v4 =	vld [tilespmem:$0x0];
	_ =	sdelay $0x4  }
0x2a: {  	v5 =	vshll.u32 v4, $0x2  }
0x2b: {  	v4 =	vand.u32 $0x7, v4;
	v5 =	vand.u32 $0xFFFFFFE0, v5  }
0x2c: {  	v4 =	vor.u32 v4, v5  }
0x2d: {  	v5 =	vperm.xlane v4, v1;
	_ =	sdelay $0x1  }
0x2e: {  	v5 =	vadd.s32 v2, v5;
	_ =	sdelay $0x1  }
0x2f: {  	v4 =	vperm.xlane v4, v3;
	_ =	sdelay $0x1  }
0x30: {  	v4 =	vadd.s32 v2, v4  }
0x31: {  	[tilespmem:s25], [sflag:$0x1] =	stream.indirect_vreg.gather [hbm4b:s0+s3], $0x80, v5, vm0, $0xb8;
	[tilespmem:$0x18600] =	vst v63  }
0x32: {  	s26 =	simm.s32 $0xA00  }
0x33: {  	[tilespmem:s26], [sflag:$0x1] =	stream.indirect_vreg.gather [hbm4b:s6+s3], $0x80, v5, vm0, $0xb8;
	[tilespmem:$0x18600] =	vst v63  }
0x34: {  	s28 =	simm.s32 $0x1200  }
0x35: {  	[tilespmem:s28], [sflag:$0x1] =	stream.indirect_vreg.gather [hbm4b:s0+s3], $0x80, v4, vm0, $0xb8;
	[tilespmem:$0x18600] =	vst v63  }
0x36: {  	s29 =	simm.s32 $0x1A00  }
0x37: {  	[tilespmem:s29], [sflag:$0x1] =	stream.indirect_vreg.gather [hbm4b:s6+s3], $0x80, v4, vm0, $0xb8;
	[tilespmem:$0x18600] =	vst v63  }
0x38: {  	v4 =	vld [tilespmem:$0x10];
	_ =	sdelay $0x4  }
0x39: {  	v5 =	vshll.u32 v4, $0x2  }
0x3a: {  	v4 =	vand.u32 $0x7, v4;
	v5 =	vand.u32 $0xFFFFFFE0, v5  }
0x3b: {  	v4 =	vor.u32 v4, v5  }
0x3c: {  	v5 =	vperm.xlane v4, v1;
	_ =	sdelay $0x1  }
0x3d: {  	v5 =	vadd.s32 v2, v5;
	_ =	sdelay $0x1  }
0x3e: {  	v4 =	vperm.xlane v4, v3;
	_ =	sdelay $0x1  }
0x3f: {  	s4 =	simm.s32 $0x2200;
	v4 =	vadd.s32 v2, v4  }
0x40: {  	[tilespmem:s4], [sflag:$0x1] =	stream.indirect_vreg.gather [hbm4b:s0+s3], $0x80, v5, vm0, $0xb8;
	[tilespmem:$0x18600] =	vst v63  }
0x41: {  	s24 =	simm.s32 $0x2A00  }
0x42: {  	[tilespmem:s24], [sflag:$0x1] =	stream.indirect_vreg.gather [hbm4b:s6+s3], $0x80, v5, vm0, $0xb8;
	[tilespmem:$0x18600] =	vst v63  }
0x43: {  	s2 =	simm.s32 $0x3200  }
0x44: {  	[tilespmem:s2], [sflag:$0x1] =	stream.indirect_vreg.gather [hbm4b:s0+s3], $0x80, v4, vm0, $0xb8;
	[tilespmem:$0x18600] =	vst v63  }
0x45: {  	s4 =	simm.s32 $0x3A00  }
0x46: {  	[tilespmem:s4], [sflag:$0x1] =	stream.indirect_vreg.gather [hbm4b:s6+s3], $0x80, v4, vm0, $0xb8;
	[tilespmem:$0x18600] =	vst v63  }
0x47: {  	v4 =	vld [tilespmem:$0x20];
	_ =	sdelay $0x4  }
0x48: {  	v5 =	vshll.u32 v4, $0x2  }
0x49: {  	v4 =	vand.u32 $0x7, v4;
	v5 =	vand.u32 $0xFFFFFFE0, v5  }
0x4a: {  	v4 =	vor.u32 v4, v5  }
0x4b: {  	v5 =	vperm.xlane v4, v1;
	_ =	sdelay $0x1  }
0x4c: {  	v5 =	vadd.s32 v2, v5;
	_ =	sdelay $0x1  }
0x4d: {  	v4 =	vperm.xlane v4, v3;
	_ =	sdelay $0x1  }
0x4e: {  	s24 =	simm.s32 $0x4200;
	v4 =	vadd.s32 v2, v4  }
0x4f: {  	[tilespmem:s24], [sflag:$0x1] =	stream.indirect_vreg.gather [hbm4b:s0+s3], $0x80, v5, vm0, $0xb8;
	[tilespmem:$0x18600] =	vst v63  }
0x50: {  	s2 =	simm.s32 $0x4A00  }
0x51: {  	[tilespmem:s2], [sflag:$0x1] =	stream.indirect_vreg.gather [hbm4b:s6+s3], $0x80, v5, vm0, $0xb8;
	[tilespmem:$0x18600] =	vst v63  }
0x52: {  	s4 =	simm.s32 $0x5200  }
0x53: {  	[tilespmem:s4], [sflag:$0x1] =	stream.indirect_vreg.gather [hbm4b:s0+s3], $0x80, v4, vm0, $0xb8;
	[tilespmem:$0x18600] =	vst v63  }
0x54: {  	s24 =	simm.s32 $0x5A00  }
0x55: {  	[tilespmem:s24], [sflag:$0x1] =	stream.indirect_vreg.gather [hbm4b:s6+s3], $0x80, v4, vm0, $0xb8;
	[tilespmem:$0x18600] =	vst v63  }
0x56: {  	v4 =	vld [tilespmem:$0x30];
	_ =	sdelay $0x4  }
0x57: {  	v5 =	vshll.u32 v4, $0x2  }
0x58: {  	v4 =	vand.u32 $0x7, v4;
	v5 =	vand.u32 $0xFFFFFFE0, v5  }
0x59: {  	v4 =	vor.u32 v4, v5  }
0x5a: {  	v5 =	vperm.xlane v4, v1;
	_ =	sdelay $0x1  }
0x5b: {  	v5 =	vadd.s32 v2, v5;
	_ =	sdelay $0x1  }
0x5c: {  	v4 =	vperm.xlane v4, v3;
	_ =	sdelay $0x1  }
0x5d: {  	s2 =	simm.s32 $0x6200;
	v4 =	vadd.s32 v2, v4  }
0x5e: {  	[tilespmem:s2], [sflag:$0x1] =	stream.indirect_vreg.gather [hbm4b:s0+s3], $0x80, v5, vm0, $0xb8;
	[tilespmem:$0x18600] =	vst v63  }
0x5f: {  	s4 =	simm.s32 $0x6A00  }
0x60: {  	[tilespmem:s4], [sflag:$0x1] =	stream.indirect_vreg.gather [hbm4b:s6+s3], $0x80, v5, vm0, $0xb8;
	[tilespmem:$0x18600] =	vst v63  }
0x61: {  	s24 =	simm.s32 $0x7200  }
0x62: {  	[tilespmem:s24], [sflag:$0x1] =	stream.indirect_vreg.gather [hbm4b:s0+s3], $0x80, v4, vm0, $0xb8;
	[tilespmem:$0x18600] =	vst v63  }
0x63: {  	s2 =	simm.s32 $0x7A00  }
0x64: {  	[tilespmem:s2], [sflag:$0x1] =	stream.indirect_vreg.gather [hbm4b:s6+s3], $0x80, v4, vm0, $0xb8;
	[tilespmem:$0x18600] =	vst v63  }
0x65: {  	v4 =	vld [tilespmem:$0x40];
	_ =	sdelay $0x4  }
0x66: {  	v5 =	vshll.u32 v4, $0x2  }
0x67: {  	v4 =	vand.u32 $0x7, v4;
	v5 =	vand.u32 $0xFFFFFFE0, v5  }
0x68: {  	v4 =	vor.u32 v4, v5  }
0x69: {  	v5 =	vperm.xlane v4, v1;
	_ =	sdelay $0x1  }
0x6a: {  	v5 =	vadd.s32 v2, v5;
	_ =	sdelay $0x1  }
0x6b: {  	v4 =	vperm.xlane v4, v3;
	_ =	sdelay $0x1  }
0x6c: {  	s1 =	simm.s32 $0x8200;
	v4 =	vadd.s32 v2, v4  }
0x6d: {  	[tilespmem:s1], [sflag:$0x1] =	stream.indirect_vreg.gather [hbm4b:s0+s3], $0x80, v5, vm0, $0xb8;
	[tilespmem:$0x18600] =	vst v63  }
0x6e: {  	s2 =	simm.s32 $0x8A00  }
0x6f: {  	[tilespmem:s2], [sflag:$0x1] =	stream.indirect_vreg.gather [hbm4b:s6+s3], $0x80, v5, vm0, $0xb8;
	[tilespmem:$0x18600] =	vst v63  }
0x70: {  	s4 =	simm.s32 $0x9200  }
0x71: {  	[tilespmem:s4], [sflag:$0x1] =	stream.indirect_vreg.gather [hbm4b:s0+s3], $0x80, v4, vm0, $0xb8;
	[tilespmem:$0x18600] =	vst v63  }
0x72: {  	s24 =	simm.s32 $0x9A00  }
0x73: {  	[tilespmem:s24], [sflag:$0x1] =	stream.indirect_vreg.gather [hbm4b:s6+s3], $0x80, v4, vm0, $0xb8;
	[tilespmem:$0x18600] =	vst v63  }
0x74: {  	v4 =	vld [tilespmem:$0x50];
	_ =	sdelay $0x4  }
0x75: {  	v5 =	vshll.u32 v4, $0x2  }
0x76: {  	v4 =	vand.u32 $0x7, v4;
	v5 =	vand.u32 $0xFFFFFFE0, v5  }
0x77: {  	v4 =	vor.u32 v4, v5  }
0x78: {  	v5 =	vperm.xlane v4, v1;
	_ =	sdelay $0x1  }
0x79: {  	v5 =	vadd.s32 v2, v5;
	_ =	sdelay $0x1  }
0x7a: {  	v4 =	vperm.xlane v4, v3;
	_ =	sdelay $0x1  }
0x7b: {  	s4 =	simm.s32 $0xA200;
	v4 =	vadd.s32 v2, v4  }
0x7c: {  	[tilespmem:s4], [sflag:$0x1] =	stream.indirect_vreg.gather [hbm4b:s0+s3], $0x80, v5, vm0, $0xb8;
	[tilespmem:$0x18600] =	vst v63  }
0x7d: {  	s24 =	simm.s32 $0xAA00  }
0x7e: {  	[tilespmem:s24], [sflag:$0x1] =	stream.indirect_vreg.gather [hbm4b:s6+s3], $0x80, v5, vm0, $0xb8;
	[tilespmem:$0x18600] =	vst v63  }
0x7f: {  	s4 =	simm.s32 $0xB200  }
0x80: {  	[tilespmem:s4], [sflag:$0x1] =	stream.indirect_vreg.gather [hbm4b:s0+s3], $0x80, v4, vm0, $0xb8;
	[tilespmem:$0x18600] =	vst v63  }
0x81: {  	s24 =	simm.s32 $0xBA00  }
0x82: {  	[tilespmem:s24], [sflag:$0x1] =	stream.indirect_vreg.gather [hbm4b:s6+s3], $0x80, v4, vm0, $0xb8;
	[tilespmem:$0x18600] =	vst v63  }
0x83: {  	v4 =	vld [tilespmem:$0x60];
	_ =	sdelay $0x4  }
0x84: {  	v5 =	vshll.u32 v4, $0x2  }
0x85: {  	v4 =	vand.u32 $0x7, v4;
	v5 =	vand.u32 $0xFFFFFFE0, v5  }
0x86: {  	v4 =	vor.u32 v4, v5  }
0x87: {  	v5 =	vperm.xlane v4, v1;
	_ =	sdelay $0x1  }
0x88: {  	v5 =	vadd.s32 v2, v5;
	_ =	sdelay $0x1  }
0x89: {  	v4 =	vperm.xlane v4, v3;
	_ =	sdelay $0x1  }
0x8a: {  	s4 =	simm.s32 $0xC200;
	v4 =	vadd.s32 v2, v4  }
0x8b: {  	[tilespmem:s4], [sflag:$0x1] =	stream.indirect_vreg.gather [hbm4b:s0+s3], $0x80, v5, vm0, $0xb8;
	[tilespmem:$0x18600] =	vst v63  }
0x8c: {  	s24 =	simm.s32 $0xCA00  }
0x8d: {  	[tilespmem:s24], [sflag:$0x1] =	stream.indirect_vreg.gather [hbm4b:s6+s3], $0x80, v5, vm0, $0xb8;
	[tilespmem:$0x18600] =	vst v63  }
0x8e: {  	s4 =	simm.s32 $0xD200  }
0x8f: {  	[tilespmem:s4], [sflag:$0x1] =	stream.indirect_vreg.gather [hbm4b:s0+s3], $0x80, v4, vm0, $0xb8;
	[tilespmem:$0x18600] =	vst v63  }
0x90: {  	s24 =	simm.s32 $0xDA00  }
0x91: {  	[tilespmem:s24], [sflag:$0x1] =	stream.indirect_vreg.gather [hbm4b:s6+s3], $0x80, v4, vm0, $0xb8;
	[tilespmem:$0x18600] =	vst v63  }
0x92: {  	v4 =	vld [tilespmem:$0x70];
	_ =	sdelay $0x4  }
0x93: {  	v5 =	vshll.u32 v4, $0x2  }
0x94: {  	v4 =	vand.u32 $0x7, v4;
	v5 =	vand.u32 $0xFFFFFFE0, v5  }
0x95: {  	v4 =	vor.u32 v4, v5  }
0x96: {  	v5 =	vperm.xlane v4, v1;
	_ =	sdelay $0x1  }
0x97: {  	v5 =	vadd.s32 v2, v5;
	_ =	sdelay $0x1  }
0x98: {  	v4 =	vperm.xlane v4, v3;
	_ =	sdelay $0x1  }
0x99: {  	s4 =	simm.s32 $0xE200;
	v4 =	vadd.s32 v2, v4  }
0x9a: {  	[tilespmem:s4], [sflag:$0x1] =	stream.indirect_vreg.gather [hbm4b:s0+s3], $0x80, v5, vm0, $0xb8;
	[tilespmem:$0x18600] =	vst v63  }
0x9b: {  	s24 =	simm.s32 $0xEA00  }
0x9c: {  	[tilespmem:s24], [sflag:$0x1] =	stream.indirect_vreg.gather [hbm4b:s6+s3], $0x80, v5, vm0, $0xb8;
	[tilespmem:$0x18600] =	vst v63  }
0x9d: {  	s4 =	simm.s32 $0xF200  }
0x9e: {  	[tilespmem:s4], [sflag:$0x1] =	stream.indirect_vreg.gather [hbm4b:s0+s3], $0x80, v4, vm0, $0xb8;
	[tilespmem:$0x18600] =	vst v63  }
0x9f: {  	s24 =	simm.s32 $0xFA00  }
0xa0: {  	[tilespmem:s24], [sflag:$0x1] =	stream.indirect_vreg.gather [hbm4b:s6+s3], $0x80, v4, vm0, $0xb8;
	[tilespmem:$0x18600] =	vst v63  }
0xa1: {  	_ =	swait.ge [sflag:s17], $0x8000  }
0xa2: {  	[sflag:s17] =	ssyncset.done $0x0  }
0xa3: {  	s2 =	rddreg [dreg:$0x1d];
	[sflag:s17] =	ssyncadd.s32 $0xFFFF8000  }
0xa4: {  	[hbm4b:s2+s3] =	stream.linear.scatter [tilespmem:s25], [sflag:$0x2], $0x8000, $0x38;
	[tilespmem:$0x18600] =	vst v63  }
0xa5: {  	v4 =	vld [tilespmem:$0x80];
	_ =	sdelay $0x4  }
0xa6: {  	v5 =	vshll.u32 v4, $0x2  }
0xa7: {  	v4 =	vand.u32 $0x7, v4;
	v5 =	vand.u32 $0xFFFFFFE0, v5  }
0xa8: {  	v4 =	vor.u32 v4, v5  }
0xa9: {  	v5 =	vperm.xlane v4, v1;
	_ =	sdelay $0x1  }
0xaa: {  	v5 =	vadd.s32 v2, v5;
	_ =	sdelay $0x1  }
0xab: {  	v4 =	vperm.xlane v4, v3;
	_ =	sdelay $0x1  }
0xac: {  	s2 =	simm.s32 $0x10200;
	v4 =	vadd.s32 v2, v4  }
0xad: {  	[tilespmem:s2], [sflag:$0x1] =	stream.indirect_vreg.gather [hbm4b:s0+s3], $0x80, v5, vm0, $0xb8;
	[tilespmem:$0x18600] =	vst v63  }
0xae: {  	s4 =	simm.s32 $0x10A00  }
0xaf: {  	[tilespmem:s4], [sflag:$0x1] =	stream.indirect_vreg.gather [hbm4b:s6+s3], $0x80, v5, vm0, $0xb8;
	[tilespmem:$0x18600] =	vst v63  }
0xb0: {  	_ = 	snop  }
0xb1: {  	[tilespmem:s8], [sflag:$0x1] =	stream.indirect_vreg.gather [hbm4b:s0+s3], $0x80, v4, vm0, $0xb8;
	[tilespmem:$0x18600] =	vst v63  }
0xb2: {  	_ = 	snop  }
0xb3: {  	[tilespmem:s9], [sflag:$0x1] =	stream.indirect_vreg.gather [hbm4b:s6+s3], $0x80, v4, vm0, $0xb8;
	[tilespmem:$0x18600] =	vst v63  }
0xb4: {  	v4 =	vld [tilespmem:$0x90];
	_ =	sdelay $0x4  }
0xb5: {  	v5 =	vshll.u32 v4, $0x2  }
0xb6: {  	v4 =	vand.u32 $0x7, v4;
	v5 =	vand.u32 $0xFFFFFFE0, v5  }
0xb7: {  	v4 =	vor.u32 v4, v5  }
0xb8: {  	v5 =	vperm.xlane v4, v1;
	_ =	sdelay $0x1  }
0xb9: {  	v5 =	vadd.s32 v2, v5;
	_ =	sdelay $0x1  }
0xba: {  	v4 =	vperm.xlane v4, v3;
	_ =	sdelay $0x1  }
0xbb: {  	v4 =	vadd.s32 v2, v4  }
0xbc: {  	[tilespmem:s10], [sflag:$0x1] =	stream.indirect_vreg.gather [hbm4b:s0+s3], $0x80, v5, vm0, $0xb8;
	[tilespmem:$0x18600] =	vst v63  }
0xbd: {  	_ = 	snop  }
0xbe: {  	[tilespmem:s11], [sflag:$0x1] =	stream.indirect_vreg.gather [hbm4b:s6+s3], $0x80, v5, vm0, $0xb8;
	[tilespmem:$0x18600] =	vst v63  }
0xbf: {  	_ = 	snop  }
0xc0: {  	[tilespmem:s12], [sflag:$0x1] =	stream.indirect_vreg.gather [hbm4b:s0+s3], $0x80, v4, vm0, $0xb8;
	[tilespmem:$0x18600] =	vst v63  }
0xc1: {  	_ = 	snop  }
0xc2: {  	[tilespmem:s13], [sflag:$0x1] =	stream.indirect_vreg.gather [hbm4b:s6+s3], $0x80, v4, vm0, $0xb8;
	[tilespmem:$0x18600] =	vst v63  }
0xc3: {  	v4 =	vld [tilespmem:$0xA0];
	_ =	sdelay $0x4  }
0xc4: {  	v5 =	vshll.u32 v4, $0x2  }
0xc5: {  	v4 =	vand.u32 $0x7, v4;
	v5 =	vand.u32 $0xFFFFFFE0, v5  }
0xc6: {  	v4 =	vor.u32 v4, v5  }
0xc7: {  	v5 =	vperm.xlane v4, v1;
	_ =	sdelay $0x1  }
0xc8: {  	v5 =	vadd.s32 v2, v5;
	_ =	sdelay $0x1  }
0xc9: {  	v4 =	vperm.xlane v4, v3;
	_ =	sdelay $0x1  }
0xca: {  	v4 =	vadd.s32 v2, v4  }
0xcb: {  	[tilespmem:s14], [sflag:$0x1] =	stream.indirect_vreg.gather [hbm4b:s0+s3], $0x80, v5, vm0, $0xb8;
	[tilespmem:$0x18600] =	vst v63  }
0xcc: {  	_ = 	snop  }
0xcd: {  	[tilespmem:s15], [sflag:$0x1] =	stream.indirect_vreg.gather [hbm4b:s6+s3], $0x80, v5, vm0, $0xb8;
	[tilespmem:$0x18600] =	vst v63  }
0xce: {  	_ = 	snop  }
0xcf: {  	[tilespmem:s16], [sflag:$0x1] =	stream.indirect_vreg.gather [hbm4b:s0+s3], $0x80, v4, vm0, $0xb8;
	[tilespmem:$0x18600] =	vst v63  }
0xd0: {  	_ = 	snop  }
0xd1: {  	[tilespmem:s18], [sflag:$0x1] =	stream.indirect_vreg.gather [hbm4b:s6+s3], $0x80, v4, vm0, $0xb8;
	[tilespmem:$0x18600] =	vst v63  }
0xd2: {  	v4 =	vld [tilespmem:$0xB0];
	_ =	sdelay $0x4  }
0xd3: {  	v5 =	vshll.u32 v4, $0x2  }
0xd4: {  	v4 =	vand.u32 $0x7, v4;
	v5 =	vand.u32 $0xFFFFFFE0, v5  }
0xd5: {  	v4 =	vor.u32 v4, v5  }
0xd6: {  	v5 =	vperm.xlane v4, v1;
	_ =	sdelay $0x1  }
0xd7: {  	v5 =	vadd.s32 v2, v5;
	_ =	sdelay $0x1  }
0xd8: {  	v4 =	vperm.xlane v4, v3;
	_ =	sdelay $0x1  }
0xd9: {  	v4 =	vadd.s32 v2, v4  }
0xda: {  	[tilespmem:s20], [sflag:$0x1] =	stream.indirect_vreg.gather [hbm4b:s0+s3], $0x80, v5, vm0, $0xb8;
	[tilespmem:$0x18600] =	vst v63  }
0xdb: {  	_ = 	snop  }
0xdc: {  	[tilespmem:s21], [sflag:$0x1] =	stream.indirect_vreg.gather [hbm4b:s6+s3], $0x80, v5, vm0, $0xb8;
	[tilespmem:$0x18600] =	vst v63  }
0xdd: {  	_ = 	snop  }
0xde: {  	[tilespmem:s23], [sflag:$0x1] =	stream.indirect_vreg.gather [hbm4b:s0+s3], $0x80, v4, vm0, $0xb8;
	[tilespmem:$0x18600] =	vst v63  }
0xdf: {  	_ = 	snop  }
0xe0: {  	[tilespmem:s30], [sflag:$0x1] =	stream.indirect_vreg.gather [hbm4b:s6+s3], $0x80, v4, vm0, $0xb8;
	[tilespmem:$0x18600] =	vst v63  }
0xe1: {  	_ =	swait.ge [sflag:s17], $0x8000  }
0xe2: {  	[sflag:s17] =	ssyncset.done $0x0  }
0xe3: {  	s24 =	rddreg [dreg:$0x7];
	[sflag:s17] =	ssyncadd.s32 $0xFFFF8000  }
0xe4: {  	[hbm4b:s24+s3] =	stream.linear.scatter [tilespmem:s1], [sflag:$0x2], $0x8000, $0x38;
	[tilespmem:$0x18600] =	vst v63  }
0xe5: {  	_ =	swait.ge [sflag:s19], $0x8000  }
0xe6: {  	[sflag:s19] =	ssyncset.done $0x0  }
0xe7: {  	[sflag:s19] =	ssyncadd.s32 $0xFFFF8000  }
0xe8: {  	v4 =	vld [tilespmem:$0xC0];
	_ =	sdelay $0x4  }
0xe9: {  	v5 =	vshll.u32 v4, $0x2  }
0xea: {  	v4 =	vand.u32 $0x7, v4;
	v5 =	vand.u32 $0xFFFFFFE0, v5  }
0xeb: {  	v4 =	vor.u32 v4, v5  }
0xec: {  	v5 =	vperm.xlane v4, v1;
	_ =	sdelay $0x1  }
0xed: {  	v5 =	vadd.s32 v2, v5;
	_ =	sdelay $0x1  }
0xee: {  	v4 =	vperm.xlane v4, v3;
	_ =	sdelay $0x1  }
0xef: {  	v4 =	vadd.s32 v2, v4  }
0xf0: {  	[tilespmem:s25], [sflag:$0x1] =	stream.indirect_vreg.gather [hbm4b:s0+s3], $0x80, v5, vm0, $0xb8;
	[tilespmem:$0x18600] =	vst v63  }
0xf1: {  	_ = 	snop  }
0xf2: {  	[tilespmem:s26], [sflag:$0x1] =	stream.indirect_vreg.gather [hbm4b:s6+s3], $0x80, v5, vm0, $0xb8;
	[tilespmem:$0x18600] =	vst v63  }
0xf3: {  	_ = 	snop  }
0xf4: {  	[tilespmem:s28], [sflag:$0x1] =	stream.indirect_vreg.gather [hbm4b:s0+s3], $0x80, v4, vm0, $0xb8;
	[tilespmem:$0x18600] =	vst v63  }
0xf5: {  	_ = 	snop  }
0xf6: {  	[tilespmem:s29], [sflag:$0x1] =	stream.indirect_vreg.gather [hbm4b:s6+s3], $0x80, v4, vm0, $0xb8;
	[tilespmem:$0x18600] =	vst v63  }
0xf7: {  	v4 =	vld [tilespmem:$0xD0];
	_ =	sdelay $0x4  }
0xf8: {  	v5 =	vshll.u32 v4, $0x2  }
0xf9: {  	v4 =	vand.u32 $0x7, v4;
	v5 =	vand.u32 $0xFFFFFFE0, v5  }
0xfa: {  	v4 =	vor.u32 v4, v5  }
0xfb: {  	v5 =	vperm.xlane v4, v1;
	_ =	sdelay $0x1  }
0xfc: {  	v5 =	vadd.s32 v2, v5;
	_ =	sdelay $0x1  }
0xfd: {  	v4 =	vperm.xlane v4, v3;
	_ =	sdelay $0x1  }
0xfe: {  	s24 =	simm.s32 $0x2200;
	v4 =	vadd.s32 v2, v4  }
0xff: {  	[tilespmem:s24], [sflag:$0x1] =	stream.indirect_vreg.gather [hbm4b:s0+s3], $0x80, v5, vm0, $0xb8;
	[tilespmem:$0x18600] =	vst v63  }
0x100: {  	s24 =	simm.s32 $0x2A00  }
0x101: {  	[tilespmem:s24], [sflag:$0x1] =	stream.indirect_vreg.gather [hbm4b:s6+s3], $0x80, v5, vm0, $0xb8;
	[tilespmem:$0x18600] =	vst v63  }
0x102: {  	s24 =	simm.s32 $0x3200  }
0x103: {  	[tilespmem:s24], [sflag:$0x1] =	stream.indirect_vreg.gather [hbm4b:s0+s3], $0x80, v4, vm0, $0xb8;
	[tilespmem:$0x18600] =	vst v63  }
0x104: {  	s24 =	simm.s32 $0x3A00  }
0x105: {  	[tilespmem:s24], [sflag:$0x1] =	stream.indirect_vreg.gather [hbm4b:s6+s3], $0x80, v4, vm0, $0xb8;
	[tilespmem:$0x18600] =	vst v63  }
0x106: {  	v4 =	vld [tilespmem:$0xE0];
	_ =	sdelay $0x4  }
0x107: {  	v5 =	vshll.u32 v4, $0x2  }
0x108: {  	v4 =	vand.u32 $0x7, v4;
	v5 =	vand.u32 $0xFFFFFFE0, v5  }
0x109: {  	v4 =	vor.u32 v4, v5  }
0x10a: {  	v5 =	vperm.xlane v4, v1;
	_ =	sdelay $0x1  }
0x10b: {  	v5 =	vadd.s32 v2, v5;
	_ =	sdelay $0x1  }
0x10c: {  	v4 =	vperm.xlane v4, v3;
	_ =	sdelay $0x1  }
0x10d: {  	s24 =	simm.s32 $0x4200;
	v4 =	vadd.s32 v2, v4  }
0x10e: {  	[tilespmem:s24], [sflag:$0x1] =	stream.indirect_vreg.gather [hbm4b:s0+s3], $0x80, v5, vm0, $0xb8;
	[tilespmem:$0x18600] =	vst v63  }
0x10f: {  	s24 =	simm.s32 $0x4A00  }
0x110: {  	[tilespmem:s24], [sflag:$0x1] =	stream.indirect_vreg.gather [hbm4b:s6+s3], $0x80, v5, vm0, $0xb8;
	[tilespmem:$0x18600] =	vst v63  }
0x111: {  	s24 =	simm.s32 $0x5200  }
0x112: {  	[tilespmem:s24], [sflag:$0x1] =	stream.indirect_vreg.gather [hbm4b:s0+s3], $0x80, v4, vm0, $0xb8;
	[tilespmem:$0x18600] =	vst v63  }
0x113: {  	s24 =	simm.s32 $0x5A00  }
0x114: {  	[tilespmem:s24], [sflag:$0x1] =	stream.indirect_vreg.gather [hbm4b:s6+s3], $0x80, v4, vm0, $0xb8;
	[tilespmem:$0x18600] =	vst v63  }
0x115: {  	v4 =	vld [tilespmem:$0xF0];
	_ =	sdelay $0x4  }
0x116: {  	v5 =	vshll.u32 v4, $0x2  }
0x117: {  	v4 =	vand.u32 $0x7, v4;
	v5 =	vand.u32 $0xFFFFFFE0, v5  }
0x118: {  	v4 =	vor.u32 v4, v5  }
0x119: {  	v5 =	vperm.xlane v4, v1;
	_ =	sdelay $0x1  }
0x11a: {  	v5 =	vadd.s32 v2, v5;
	_ =	sdelay $0x1  }
0x11b: {  	v4 =	vperm.xlane v4, v3;
	_ =	sdelay $0x1  }
0x11c: {  	s24 =	simm.s32 $0x6200;
	v4 =	vadd.s32 v2, v4  }
0x11d: {  	[tilespmem:s24], [sflag:$0x1] =	stream.indirect_vreg.gather [hbm4b:s0+s3], $0x80, v5, vm0, $0xb8;
	[tilespmem:$0x18600] =	vst v63  }
0x11e: {  	s24 =	simm.s32 $0x6A00  }
0x11f: {  	[tilespmem:s24], [sflag:$0x1] =	stream.indirect_vreg.gather [hbm4b:s6+s3], $0x80, v5, vm0, $0xb8;
	[tilespmem:$0x18600] =	vst v63  }
0x120: {  	s24 =	simm.s32 $0x7200  }
0x121: {  	[tilespmem:s24], [sflag:$0x1] =	stream.indirect_vreg.gather [hbm4b:s0+s3], $0x80, v4, vm0, $0xb8;
	[tilespmem:$0x18600] =	vst v63  }
0x122: {  	s24 =	simm.s32 $0x7A00  }
0x123: {  	[tilespmem:s24], [sflag:$0x1] =	stream.indirect_vreg.gather [hbm4b:s6+s3], $0x80, v4, vm0, $0xb8;
	[tilespmem:$0x18600] =	vst v63  }
0x124: {  	_ =	swait.ge [sflag:s17], $0x8000  }
0x125: {  	[sflag:s17] =	ssyncset.done $0x0  }
0x126: {  	s24 =	rddreg [dreg:$0x8];
	[sflag:s17] =	ssyncadd.s32 $0xFFFF8000  }
0x127: {  	[hbm4b:s24+s3] =	stream.linear.scatter [tilespmem:s2], [sflag:$0x2], $0x8000, $0x38;
	[tilespmem:$0x18600] =	vst v63  }
0x128: {  	_ =	swait.ge [sflag:s19], $0x8000  }
0x129: {  	[sflag:s19] =	ssyncset.done $0x0  }
0x12a: {  	[sflag:s19] =	ssyncadd.s32 $0xFFFF8000  }
0x12b: {  	v4 =	vld [tilespmem:$0x100];
	_ =	sdelay $0x4  }
0x12c: {  	v5 =	vshll.u32 v4, $0x2  }
0x12d: {  	v4 =	vand.u32 $0x7, v4;
	v5 =	vand.u32 $0xFFFFFFE0, v5  }
0x12e: {  	v4 =	vor.u32 v4, v5  }
0x12f: {  	v5 =	vperm.xlane v4, v1;
	_ =	sdelay $0x1  }
0x130: {  	v5 =	vadd.s32 v2, v5;
	_ =	sdelay $0x1  }
0x131: {  	v4 =	vperm.xlane v4, v3;
	_ =	sdelay $0x1  }
0x132: {  	v4 =	vadd.s32 v2, v4  }
0x133: {  	[tilespmem:s1], [sflag:$0x1] =	stream.indirect_vreg.gather [hbm4b:s0+s3], $0x80, v5, vm0, $0xb8;
	[tilespmem:$0x18600] =	vst v63  }
0x134: {  	s24 =	simm.s32 $0x8A00  }
0x135: {  	[tilespmem:s24], [sflag:$0x1] =	stream.indirect_vreg.gather [hbm4b:s6+s3], $0x80, v5, vm0, $0xb8;
	[tilespmem:$0x18600] =	vst v63  }
0x136: {  	s24 =	simm.s32 $0x9200  }
0x137: {  	[tilespmem:s24], [sflag:$0x1] =	stream.indirect_vreg.gather [hbm4b:s0+s3], $0x80, v4, vm0, $0xb8;
	[tilespmem:$0x18600] =	vst v63  }
0x138: {  	s24 =	simm.s32 $0x9A00  }
0x139: {  	[tilespmem:s24], [sflag:$0x1] =	stream.indirect_vreg.gather [hbm4b:s6+s3], $0x80, v4, vm0, $0xb8;
	[tilespmem:$0x18600] =	vst v63  }
0x13a: {  	v4 =	vld [tilespmem:$0x110];
	_ =	sdelay $0x4  }
0x13b: {  	v5 =	vshll.u32 v4, $0x2  }
0x13c: {  	v4 =	vand.u32 $0x7, v4;
	v5 =	vand.u32 $0xFFFFFFE0, v5  }
0x13d: {  	v4 =	vor.u32 v4, v5  }
0x13e: {  	v5 =	vperm.xlane v4, v1;
	_ =	sdelay $0x1  }
0x13f: {  	v5 =	vadd.s32 v2, v5;
	_ =	sdelay $0x1  }
0x140: {  	v4 =	vperm.xlane v4, v3;
	_ =	sdelay $0x1  }
0x141: {  	s24 =	simm.s32 $0xA200;
	v4 =	vadd.s32 v2, v4  }
0x142: {  	[tilespmem:s24], [sflag:$0x1] =	stream.indirect_vreg.gather [hbm4b:s0+s3], $0x80, v5, vm0, $0xb8;
	[tilespmem:$0x18600] =	vst v63  }
0x143: {  	s24 =	simm.s32 $0xAA00  }
0x144: {  	[tilespmem:s24], [sflag:$0x1] =	stream.indirect_vreg.gather [hbm4b:s6+s3], $0x80, v5, vm0, $0xb8;
	[tilespmem:$0x18600] =	vst v63  }
0x145: {  	s24 =	simm.s32 $0xB200  }
0x146: {  	[tilespmem:s24], [sflag:$0x1] =	stream.indirect_vreg.gather [hbm4b:s0+s3], $0x80, v4, vm0, $0xb8;
	[tilespmem:$0x18600] =	vst v63  }
0x147: {  	s24 =	simm.s32 $0xBA00  }
0x148: {  	[tilespmem:s24], [sflag:$0x1] =	stream.indirect_vreg.gather [hbm4b:s6+s3], $0x80, v4, vm0, $0xb8;
	[tilespmem:$0x18600] =	vst v63  }
0x149: {  	v4 =	vld [tilespmem:$0x120];
	_ =	sdelay $0x4  }
0x14a: {  	v5 =	vshll.u32 v4, $0x2  }
0x14b: {  	v4 =	vand.u32 $0x7, v4;
	v5 =	vand.u32 $0xFFFFFFE0, v5  }
0x14c: {  	v4 =	vor.u32 v4, v5  }
0x14d: {  	v5 =	vperm.xlane v4, v1;
	_ =	sdelay $0x1  }
0x14e: {  	v5 =	vadd.s32 v2, v5;
	_ =	sdelay $0x1  }
0x14f: {  	v4 =	vperm.xlane v4, v3;
	_ =	sdelay $0x1  }
0x150: {  	s24 =	simm.s32 $0xC200;
	v4 =	vadd.s32 v2, v4  }
0x151: {  	[tilespmem:s24], [sflag:$0x1] =	stream.indirect_vreg.gather [hbm4b:s0+s3], $0x80, v5, vm0, $0xb8;
	[tilespmem:$0x18600] =	vst v63  }
0x152: {  	s24 =	simm.s32 $0xCA00  }
0x153: {  	[tilespmem:s24], [sflag:$0x1] =	stream.indirect_vreg.gather [hbm4b:s6+s3], $0x80, v5, vm0, $0xb8;
	[tilespmem:$0x18600] =	vst v63  }
0x154: {  	s24 =	simm.s32 $0xD200  }
0x155: {  	[tilespmem:s24], [sflag:$0x1] =	stream.indirect_vreg.gather [hbm4b:s0+s3], $0x80, v4, vm0, $0xb8;
	[tilespmem:$0x18600] =	vst v63  }
0x156: {  	s24 =	simm.s32 $0xDA00  }
0x157: {  	[tilespmem:s24], [sflag:$0x1] =	stream.indirect_vreg.gather [hbm4b:s6+s3], $0x80, v4, vm0, $0xb8;
	[tilespmem:$0x18600] =	vst v63  }
0x158: {  	v4 =	vld [tilespmem:$0x130];
	_ =	sdelay $0x4  }
0x159: {  	v5 =	vshll.u32 v4, $0x2  }
0x15a: {  	v4 =	vand.u32 $0x7, v4;
	v5 =	vand.u32 $0xFFFFFFE0, v5  }
0x15b: {  	v4 =	vor.u32 v4, v5  }
0x15c: {  	v5 =	vperm.xlane v4, v1;
	_ =	sdelay $0x1  }
0x15d: {  	v5 =	vadd.s32 v2, v5;
	_ =	sdelay $0x1  }
0x15e: {  	v4 =	vperm.xlane v4, v3;
	_ =	sdelay $0x1  }
0x15f: {  	s24 =	simm.s32 $0xE200;
	v4 =	vadd.s32 v2, v4  }
0x160: {  	[tilespmem:s24], [sflag:$0x1] =	stream.indirect_vreg.gather [hbm4b:s0+s3], $0x80, v5, vm0, $0xb8;
	[tilespmem:$0x18600] =	vst v63  }
0x161: {  	s24 =	simm.s32 $0xEA00  }
0x162: {  	[tilespmem:s24], [sflag:$0x1] =	stream.indirect_vreg.gather [hbm4b:s6+s3], $0x80, v5, vm0, $0xb8;
	[tilespmem:$0x18600] =	vst v63  }
0x163: {  	s24 =	simm.s32 $0xF200  }
0x164: {  	[tilespmem:s24], [sflag:$0x1] =	stream.indirect_vreg.gather [hbm4b:s0+s3], $0x80, v4, vm0, $0xb8;
	[tilespmem:$0x18600] =	vst v63  }
0x165: {  	s24 =	simm.s32 $0xFA00  }
0x166: {  	[tilespmem:s24], [sflag:$0x1] =	stream.indirect_vreg.gather [hbm4b:s6+s3], $0x80, v4, vm0, $0xb8;
	[tilespmem:$0x18600] =	vst v63  }
0x167: {  	_ =	swait.ge [sflag:s17], $0x8000  }
0x168: {  	[sflag:s17] =	ssyncset.done $0x0  }
0x169: {  	s24 =	rddreg [dreg:$0x9];
	[sflag:s17] =	ssyncadd.s32 $0xFFFF8000  }
0x16a: {  	[hbm4b:s24+s3] =	stream.linear.scatter [tilespmem:s25], [sflag:$0x2], $0x8000, $0x38;
	[tilespmem:$0x18600] =	vst v63  }
0x16b: {  	_ =	swait.ge [sflag:s19], $0x8000  }
0x16c: {  	[sflag:s19] =	ssyncset.done $0x0  }
0x16d: {  	[sflag:s19] =	ssyncadd.s32 $0xFFFF8000  }
0x16e: {  	v4 =	vld [tilespmem:$0x140];
	_ =	sdelay $0x4  }
0x16f: {  	v5 =	vshll.u32 v4, $0x2  }
0x170: {  	v4 =	vand.u32 $0x7, v4;
	v5 =	vand.u32 $0xFFFFFFE0, v5  }
0x171: {  	v4 =	vor.u32 v4, v5  }
0x172: {  	v5 =	vperm.xlane v4, v1;
	_ =	sdelay $0x1  }
0x173: {  	v5 =	vadd.s32 v2, v5;
	_ =	sdelay $0x1  }
0x174: {  	v4 =	vperm.xlane v4, v3;
	_ =	sdelay $0x1  }
0x175: {  	v4 =	vadd.s32 v2, v4  }
0x176: {  	[tilespmem:s2], [sflag:$0x1] =	stream.indirect_vreg.gather [hbm4b:s0+s3], $0x80, v5, vm0, $0xb8;
	[tilespmem:$0x18600] =	vst v63  }
0x177: {  	_ = 	snop  }
0x178: {  	[tilespmem:s4], [sflag:$0x1] =	stream.indirect_vreg.gather [hbm4b:s6+s3], $0x80, v5, vm0, $0xb8;
	[tilespmem:$0x18600] =	vst v63  }
0x179: {  	_ = 	snop  }
0x17a: {  	[tilespmem:s8], [sflag:$0x1] =	stream.indirect_vreg.gather [hbm4b:s0+s3], $0x80, v4, vm0, $0xb8;
	[tilespmem:$0x18600] =	vst v63  }
0x17b: {  	_ = 	snop  }
0x17c: {  	[tilespmem:s9], [sflag:$0x1] =	stream.indirect_vreg.gather [hbm4b:s6+s3], $0x80, v4, vm0, $0xb8;
	[tilespmem:$0x18600] =	vst v63  }
0x17d: {  	v4 =	vld [tilespmem:$0x150];
	_ =	sdelay $0x4  }
0x17e: {  	v5 =	vshll.u32 v4, $0x2  }
0x17f: {  	v4 =	vand.u32 $0x7, v4;
	v5 =	vand.u32 $0xFFFFFFE0, v5  }
0x180: {  	v4 =	vor.u32 v4, v5  }
0x181: {  	v5 =	vperm.xlane v4, v1;
	_ =	sdelay $0x1  }
0x182: {  	v5 =	vadd.s32 v2, v5;
	_ =	sdelay $0x1  }
0x183: {  	v4 =	vperm.xlane v4, v3;
	_ =	sdelay $0x1  }
0x184: {  	v4 =	vadd.s32 v2, v4  }
0x185: {  	[tilespmem:s10], [sflag:$0x1] =	stream.indirect_vreg.gather [hbm4b:s0+s3], $0x80, v5, vm0, $0xb8;
	[tilespmem:$0x18600] =	vst v63  }
0x186: {  	_ = 	snop  }
0x187: {  	[tilespmem:s11], [sflag:$0x1] =	stream.indirect_vreg.gather [hbm4b:s6+s3], $0x80, v5, vm0, $0xb8;
	[tilespmem:$0x18600] =	vst v63  }
0x188: {  	_ = 	snop  }
0x189: {  	[tilespmem:s12], [sflag:$0x1] =	stream.indirect_vreg.gather [hbm4b:s0+s3], $0x80, v4, vm0, $0xb8;
	[tilespmem:$0x18600] =	vst v63  }
0x18a: {  	_ = 	snop  }
0x18b: {  	[tilespmem:s13], [sflag:$0x1] =	stream.indirect_vreg.gather [hbm4b:s6+s3], $0x80, v4, vm0, $0xb8;
	[tilespmem:$0x18600] =	vst v63  }
0x18c: {  	v4 =	vld [tilespmem:$0x160];
	_ =	sdelay $0x4  }
0x18d: {  	v5 =	vshll.u32 v4, $0x2  }
0x18e: {  	v4 =	vand.u32 $0x7, v4;
	v5 =	vand.u32 $0xFFFFFFE0, v5  }
0x18f: {  	v4 =	vor.u32 v4, v5  }
0x190: {  	v5 =	vperm.xlane v4, v1;
	_ =	sdelay $0x1  }
0x191: {  	v5 =	vadd.s32 v2, v5;
	_ =	sdelay $0x1  }
0x192: {  	v4 =	vperm.xlane v4, v3;
	_ =	sdelay $0x1  }
0x193: {  	v4 =	vadd.s32 v2, v4  }
0x194: {  	[tilespmem:s14], [sflag:$0x1] =	stream.indirect_vreg.gather [hbm4b:s0+s3], $0x80, v5, vm0, $0xb8;
	[tilespmem:$0x18600] =	vst v63  }
0x195: {  	_ = 	snop  }
0x196: {  	[tilespmem:s15], [sflag:$0x1] =	stream.indirect_vreg.gather [hbm4b:s6+s3], $0x80, v5, vm0, $0xb8;
	[tilespmem:$0x18600] =	vst v63  }
0x197: {  	_ = 	snop  }
0x198: {  	[tilespmem:s16], [sflag:$0x1] =	stream.indirect_vreg.gather [hbm4b:s0+s3], $0x80, v4, vm0, $0xb8;
	[tilespmem:$0x18600] =	vst v63  }
0x199: {  	_ = 	snop  }
0x19a: {  	[tilespmem:s18], [sflag:$0x1] =	stream.indirect_vreg.gather [hbm4b:s6+s3], $0x80, v4, vm0, $0xb8;
	[tilespmem:$0x18600] =	vst v63  }
0x19b: {  	v4 =	vld [tilespmem:$0x170];
	_ =	sdelay $0x4  }
0x19c: {  	v5 =	vshll.u32 v4, $0x2  }
0x19d: {  	v4 =	vand.u32 $0x7, v4;
	v5 =	vand.u32 $0xFFFFFFE0, v5  }
0x19e: {  	v4 =	vor.u32 v4, v5  }
0x19f: {  	v5 =	vperm.xlane v4, v1;
	_ =	sdelay $0x1  }
0x1a0: {  	v5 =	vadd.s32 v2, v5;
	_ =	sdelay $0x1  }
0x1a1: {  	v4 =	vperm.xlane v4, v3;
	_ =	sdelay $0x1  }
0x1a2: {  	v4 =	vadd.s32 v2, v4  }
0x1a3: {  	[tilespmem:s20], [sflag:$0x1] =	stream.indirect_vreg.gather [hbm4b:s0+s3], $0x80, v5, vm0, $0xb8;
	[tilespmem:$0x18600] =	vst v63  }
0x1a4: {  	_ = 	snop  }
0x1a5: {  	[tilespmem:s21], [sflag:$0x1] =	stream.indirect_vreg.gather [hbm4b:s6+s3], $0x80, v5, vm0, $0xb8;
	[tilespmem:$0x18600] =	vst v63  }
0x1a6: {  	_ = 	snop  }
0x1a7: {  	[tilespmem:s23], [sflag:$0x1] =	stream.indirect_vreg.gather [hbm4b:s0+s3], $0x80, v4, vm0, $0xb8;
	[tilespmem:$0x18600] =	vst v63  }
0x1a8: {  	_ = 	snop  }
0x1a9: {  	[tilespmem:s30], [sflag:$0x1] =	stream.indirect_vreg.gather [hbm4b:s6+s3], $0x80, v4, vm0, $0xb8;
	[tilespmem:$0x18600] =	vst v63  }
0x1aa: {  	_ =	swait.ge [sflag:s17], $0x8000  }
0x1ab: {  	[sflag:s17] =	ssyncset.done $0x0  }
0x1ac: {  	s4 =	rddreg [dreg:$0xa];
	[sflag:s17] =	ssyncadd.s32 $0xFFFF8000  }
0x1ad: {  	[hbm4b:s4+s3] =	stream.linear.scatter [tilespmem:s1], [sflag:$0x2], $0x8000, $0x38;
	[tilespmem:$0x18600] =	vst v63  }
0x1ae: {  	_ =	swait.ge [sflag:s19], $0x8000  }
0x1af: {  	[sflag:s19] =	ssyncset.done $0x0  }
0x1b0: {  	[sflag:s19] =	ssyncadd.s32 $0xFFFF8000  }
0x1b1: {  	v4 =	vld [tilespmem:$0x180];
	_ =	sdelay $0x4  }
0x1b2: {  	v5 =	vshll.u32 v4, $0x2  }
0x1b3: {  	v4 =	vand.u32 $0x7, v4;
	v5 =	vand.u32 $0xFFFFFFE0, v5  }
0x1b4: {  	v4 =	vor.u32 v4, v5  }
0x1b5: {  	v5 =	vperm.xlane v4, v1;
	_ =	sdelay $0x1  }
0x1b6: {  	v5 =	vadd.s32 v2, v5;
	_ =	sdelay $0x1  }
0x1b7: {  	v4 =	vperm.xlane v4, v3;
	_ =	sdelay $0x1  }
0x1b8: {  	v4 =	vadd.s32 v2, v4  }
0x1b9: {  	[tilespmem:s25], [sflag:$0x1] =	stream.indirect_vreg.gather [hbm4b:s0+s3], $0x80, v5, vm0, $0xb8;
	[tilespmem:$0x18600] =	vst v63  }
0x1ba: {  	_ = 	snop  }
0x1bb: {  	[tilespmem:s26], [sflag:$0x1] =	stream.indirect_vreg.gather [hbm4b:s6+s3], $0x80, v5, vm0, $0xb8;
	[tilespmem:$0x18600] =	vst v63  }
0x1bc: {  	_ = 	snop  }
0x1bd: {  	[tilespmem:s28], [sflag:$0x1] =	stream.indirect_vreg.gather [hbm4b:s0+s3], $0x80, v4, vm0, $0xb8;
	[tilespmem:$0x18600] =	vst v63  }
0x1be: {  	_ = 	snop  }
0x1bf: {  	[tilespmem:s29], [sflag:$0x1] =	stream.indirect_vreg.gather [hbm4b:s6+s3], $0x80, v4, vm0, $0xb8;
	[tilespmem:$0x18600] =	vst v63  }
0x1c0: {  	v4 =	vld [tilespmem:$0x190];
	_ =	sdelay $0x4  }
0x1c1: {  	v5 =	vshll.u32 v4, $0x2  }
0x1c2: {  	v4 =	vand.u32 $0x7, v4;
	v5 =	vand.u32 $0xFFFFFFE0, v5  }
0x1c3: {  	v4 =	vor.u32 v4, v5  }
0x1c4: {  	v5 =	vperm.xlane v4, v1;
	_ =	sdelay $0x1  }
0x1c5: {  	v5 =	vadd.s32 v2, v5;
	_ =	sdelay $0x1  }
0x1c6: {  	v4 =	vperm.xlane v4, v3;
	_ =	sdelay $0x1  }
0x1c7: {  	s24 =	simm.s32 $0x2200;
	v4 =	vadd.s32 v2, v4  }
0x1c8: {  	[tilespmem:s24], [sflag:$0x1] =	stream.indirect_vreg.gather [hbm4b:s0+s3], $0x80, v5, vm0, $0xb8;
	[tilespmem:$0x18600] =	vst v63  }
0x1c9: {  	s26 =	simm.s32 $0x2A00  }
0x1ca: {  	[tilespmem:s26], [sflag:$0x1] =	stream.indirect_vreg.gather [hbm4b:s6+s3], $0x80, v5, vm0, $0xb8;
	[tilespmem:$0x18600] =	vst v63  }
0x1cb: {  	s28 =	simm.s32 $0x3200  }
0x1cc: {  	[tilespmem:s28], [sflag:$0x1] =	stream.indirect_vreg.gather [hbm4b:s0+s3], $0x80, v4, vm0, $0xb8;
	[tilespmem:$0x18600] =	vst v63  }
0x1cd: {  	s29 =	simm.s32 $0x3A00  }
0x1ce: {  	[tilespmem:s29], [sflag:$0x1] =	stream.indirect_vreg.gather [hbm4b:s6+s3], $0x80, v4, vm0, $0xb8;
	[tilespmem:$0x18600] =	vst v63  }
0x1cf: {  	v4 =	vld [tilespmem:$0x1A0];
	_ =	sdelay $0x4  }
0x1d0: {  	v5 =	vshll.u32 v4, $0x2  }
0x1d1: {  	v4 =	vand.u32 $0x7, v4;
	v5 =	vand.u32 $0xFFFFFFE0, v5  }
0x1d2: {  	v4 =	vor.u32 v4, v5  }
0x1d3: {  	v5 =	vperm.xlane v4, v1;
	_ =	sdelay $0x1  }
0x1d4: {  	v5 =	vadd.s32 v2, v5;
	_ =	sdelay $0x1  }
0x1d5: {  	v4 =	vperm.xlane v4, v3;
	_ =	sdelay $0x1  }
0x1d6: {  	s24 =	simm.s32 $0x4200;
	v4 =	vadd.s32 v2, v4  }
0x1d7: {  	[tilespmem:s24], [sflag:$0x1] =	stream.indirect_vreg.gather [hbm4b:s0+s3], $0x80, v5, vm0, $0xb8;
	[tilespmem:$0x18600] =	vst v63  }
0x1d8: {  	s26 =	simm.s32 $0x4A00  }
0x1d9: {  	[tilespmem:s26], [sflag:$0x1] =	stream.indirect_vreg.gather [hbm4b:s6+s3], $0x80, v5, vm0, $0xb8;
	[tilespmem:$0x18600] =	vst v63  }
0x1da: {  	s28 =	simm.s32 $0x5200  }
0x1db: {  	[tilespmem:s28], [sflag:$0x1] =	stream.indirect_vreg.gather [hbm4b:s0+s3], $0x80, v4, vm0, $0xb8;
	[tilespmem:$0x18600] =	vst v63  }
0x1dc: {  	s29 =	simm.s32 $0x5A00  }
0x1dd: {  	[tilespmem:s29], [sflag:$0x1] =	stream.indirect_vreg.gather [hbm4b:s6+s3], $0x80, v4, vm0, $0xb8;
	[tilespmem:$0x18600] =	vst v63  }
0x1de: {  	v4 =	vld [tilespmem:$0x1B0];
	_ =	sdelay $0x4  }
0x1df: {  	v5 =	vshll.u32 v4, $0x2  }
0x1e0: {  	v4 =	vand.u32 $0x7, v4;
	v5 =	vand.u32 $0xFFFFFFE0, v5  }
0x1e1: {  	v4 =	vor.u32 v4, v5  }
0x1e2: {  	v5 =	vperm.xlane v4, v1;
	_ =	sdelay $0x1  }
0x1e3: {  	v5 =	vadd.s32 v2, v5;
	_ =	sdelay $0x1  }
0x1e4: {  	v4 =	vperm.xlane v4, v3;
	_ =	sdelay $0x1  }
0x1e5: {  	s24 =	simm.s32 $0x6200;
	v4 =	vadd.s32 v2, v4  }
0x1e6: {  	[tilespmem:s24], [sflag:$0x1] =	stream.indirect_vreg.gather [hbm4b:s0+s3], $0x80, v5, vm0, $0xb8;
	[tilespmem:$0x18600] =	vst v63  }
0x1e7: {  	s26 =	simm.s32 $0x6A00  }
0x1e8: {  	[tilespmem:s26], [sflag:$0x1] =	stream.indirect_vreg.gather [hbm4b:s6+s3], $0x80, v5, vm0, $0xb8;
	[tilespmem:$0x18600] =	vst v63  }
0x1e9: {  	s28 =	simm.s32 $0x7200  }
0x1ea: {  	[tilespmem:s28], [sflag:$0x1] =	stream.indirect_vreg.gather [hbm4b:s0+s3], $0x80, v4, vm0, $0xb8;
	[tilespmem:$0x18600] =	vst v63  }
0x1eb: {  	s29 =	simm.s32 $0x7A00  }
0x1ec: {  	[tilespmem:s29], [sflag:$0x1] =	stream.indirect_vreg.gather [hbm4b:s6+s3], $0x80, v4, vm0, $0xb8;
	[tilespmem:$0x18600] =	vst v63  }
0x1ed: {  	_ =	swait.ge [sflag:s17], $0x8000  }
0x1ee: {  	[sflag:s17] =	ssyncset.done $0x0  }
0x1ef: {  	s4 =	rddreg [dreg:$0xb];
	[sflag:s17] =	ssyncadd.s32 $0xFFFF8000  }
0x1f0: {  	[hbm4b:s4+s3] =	stream.linear.scatter [tilespmem:s2], [sflag:$0x2], $0x8000, $0x38;
	[tilespmem:$0x18600] =	vst v63  }
0x1f1: {  	_ =	swait.ge [sflag:s19], $0x8000  }
0x1f2: {  	[sflag:s19] =	ssyncset.done $0x0  }
0x1f3: {  	[sflag:s19] =	ssyncadd.s32 $0xFFFF8000  }
0x1f4: {  	v4 =	vld [tilespmem:$0x1C0];
	_ =	sdelay $0x4  }
0x1f5: {  	v5 =	vshll.u32 v4, $0x2  }
0x1f6: {  	v4 =	vand.u32 $0x7, v4;
	v5 =	vand.u32 $0xFFFFFFE0, v5  }
0x1f7: {  	v4 =	vor.u32 v4, v5  }
0x1f8: {  	v5 =	vperm.xlane v4, v1;
	_ =	sdelay $0x1  }
0x1f9: {  	v5 =	vadd.s32 v2, v5;
	_ =	sdelay $0x1  }
0x1fa: {  	v4 =	vperm.xlane v4, v3;
	_ =	sdelay $0x1  }
0x1fb: {  	v4 =	vadd.s32 v2, v4  }
0x1fc: {  	[tilespmem:s1], [sflag:$0x1] =	stream.indirect_vreg.gather [hbm4b:s0+s3], $0x80, v5, vm0, $0xb8;
	[tilespmem:$0x18600] =	vst v63  }
0x1fd: {  	s26 =	simm.s32 $0x8A00  }
0x1fe: {  	[tilespmem:s26], [sflag:$0x1] =	stream.indirect_vreg.gather [hbm4b:s6+s3], $0x80, v5, vm0, $0xb8;
	[tilespmem:$0x18600] =	vst v63  }
0x1ff: {  	s28 =	simm.s32 $0x9200  }
0x200: {  	[tilespmem:s28], [sflag:$0x1] =	stream.indirect_vreg.gather [hbm4b:s0+s3], $0x80, v4, vm0, $0xb8;
	[tilespmem:$0x18600] =	vst v63  }
0x201: {  	s29 =	simm.s32 $0x9A00  }
0x202: {  	[tilespmem:s29], [sflag:$0x1] =	stream.indirect_vreg.gather [hbm4b:s6+s3], $0x80, v4, vm0, $0xb8;
	[tilespmem:$0x18600] =	vst v63  }
0x203: {  	v4 =	vld [tilespmem:$0x1D0];
	_ =	sdelay $0x4  }
0x204: {  	v5 =	vshll.u32 v4, $0x2  }
0x205: {  	v4 =	vand.u32 $0x7, v4;
	v5 =	vand.u32 $0xFFFFFFE0, v5  }
0x206: {  	v4 =	vor.u32 v4, v5  }
0x207: {  	v5 =	vperm.xlane v4, v1;
	_ =	sdelay $0x1  }
0x208: {  	v5 =	vadd.s32 v2, v5;
	_ =	sdelay $0x1  }
0x209: {  	v4 =	vperm.xlane v4, v3;
	_ =	sdelay $0x1  }
0x20a: {  	s4 =	simm.s32 $0xA200;
	v4 =	vadd.s32 v2, v4  }
0x20b: {  	[tilespmem:s4], [sflag:$0x1] =	stream.indirect_vreg.gather [hbm4b:s0+s3], $0x80, v5, vm0, $0xb8;
	[tilespmem:$0x18600] =	vst v63  }
0x20c: {  	s24 =	simm.s32 $0xAA00  }
0x20d: {  	[tilespmem:s24], [sflag:$0x1] =	stream.indirect_vreg.gather [hbm4b:s6+s3], $0x80, v5, vm0, $0xb8;
	[tilespmem:$0x18600] =	vst v63  }
0x20e: {  	s26 =	simm.s32 $0xB200  }
0x20f: {  	[tilespmem:s26], [sflag:$0x1] =	stream.indirect_vreg.gather [hbm4b:s0+s3], $0x80, v4, vm0, $0xb8;
	[tilespmem:$0x18600] =	vst v63  }
0x210: {  	s28 =	simm.s32 $0xBA00  }
0x211: {  	[tilespmem:s28], [sflag:$0x1] =	stream.indirect_vreg.gather [hbm4b:s6+s3], $0x80, v4, vm0, $0xb8;
	[tilespmem:$0x18600] =	vst v63  }
0x212: {  	v4 =	vld [tilespmem:$0x1E0];
	_ =	sdelay $0x4  }
0x213: {  	v5 =	vshll.u32 v4, $0x2  }
0x214: {  	v4 =	vand.u32 $0x7, v4;
	v5 =	vand.u32 $0xFFFFFFE0, v5  }
0x215: {  	v4 =	vor.u32 v4, v5  }
0x216: {  	v5 =	vperm.xlane v4, v1;
	_ =	sdelay $0x1  }
0x217: {  	v5 =	vadd.s32 v2, v5;
	_ =	sdelay $0x1  }
0x218: {  	v4 =	vperm.xlane v4, v3;
	_ =	sdelay $0x1  }
0x219: {  	s29 =	simm.s32 $0xC200;
	v4 =	vadd.s32 v2, v4  }
0x21a: {  	[tilespmem:s29], [sflag:$0x1] =	stream.indirect_vreg.gather [hbm4b:s0+s3], $0x80, v5, vm0, $0xb8;
	[tilespmem:$0x18600] =	vst v63  }
0x21b: {  	s4 =	simm.s32 $0xCA00  }
0x21c: {  	[tilespmem:s4], [sflag:$0x1] =	stream.indirect_vreg.gather [hbm4b:s6+s3], $0x80, v5, vm0, $0xb8;
	[tilespmem:$0x18600] =	vst v63  }
0x21d: {  	s24 =	simm.s32 $0xD200  }
0x21e: {  	[tilespmem:s24], [sflag:$0x1] =	stream.indirect_vreg.gather [hbm4b:s0+s3], $0x80, v4, vm0, $0xb8;
	[tilespmem:$0x18600] =	vst v63  }
0x21f: {  	s26 =	simm.s32 $0xDA00  }
0x220: {  	[tilespmem:s26], [sflag:$0x1] =	stream.indirect_vreg.gather [hbm4b:s6+s3], $0x80, v4, vm0, $0xb8;
	[tilespmem:$0x18600] =	vst v63  }
0x221: {  	v4 =	vld [tilespmem:$0x1F0];
	_ =	sdelay $0x4  }
0x222: {  	v5 =	vshll.u32 v4, $0x2  }
0x223: {  	v4 =	vand.u32 $0x7, v4;
	v5 =	vand.u32 $0xFFFFFFE0, v5  }
0x224: {  	v4 =	vor.u32 v4, v5  }
0x225: {  	v5 =	vperm.xlane v4, v1;
	_ =	sdelay $0x1  }
0x226: {  	v5 =	vadd.s32 v2, v5;
	_ =	sdelay $0x1  }
0x227: {  	v4 =	vperm.xlane v4, v3;
	_ =	sdelay $0x1  }
0x228: {  	s28 =	simm.s32 $0xE200;
	v4 =	vadd.s32 v2, v4  }
0x229: {  	[tilespmem:s28], [sflag:$0x1] =	stream.indirect_vreg.gather [hbm4b:s0+s3], $0x80, v5, vm0, $0xb8;
	[tilespmem:$0x18600] =	vst v63  }
0x22a: {  	s29 =	simm.s32 $0xEA00  }
0x22b: {  	[tilespmem:s29], [sflag:$0x1] =	stream.indirect_vreg.gather [hbm4b:s6+s3], $0x80, v5, vm0, $0xb8;
	[tilespmem:$0x18600] =	vst v63  }
0x22c: {  	s4 =	simm.s32 $0xF200  }
0x22d: {  	[tilespmem:s4], [sflag:$0x1] =	stream.indirect_vreg.gather [hbm4b:s0+s3], $0x80, v4, vm0, $0xb8;
	[tilespmem:$0x18600] =	vst v63  }
0x22e: {  	s24 =	simm.s32 $0xFA00  }
0x22f: {  	[tilespmem:s24], [sflag:$0x1] =	stream.indirect_vreg.gather [hbm4b:s6+s3], $0x80, v4, vm0, $0xb8;
	[tilespmem:$0x18600] =	vst v63  }
0x230: {  	_ =	swait.ge [sflag:s17], $0x8000  }
0x231: {  	[sflag:s17] =	ssyncset.done $0x0  }
0x232: {  	s26 =	rddreg [dreg:$0xc];
	[sflag:s17] =	ssyncadd.s32 $0xFFFF8000  }
0x233: {  	[hbm4b:s26+s3] =	stream.linear.scatter [tilespmem:s25], [sflag:$0x2], $0x8000, $0x38;
	[tilespmem:$0x18600] =	vst v63  }
0x234: {  	_ =	swait.ge [sflag:s17], $0x8000  }
0x235: {  	[sflag:s17] =	ssyncset.done $0x0  }
0x236: {  	s28 =	rddreg [dreg:$0xd];
	[sflag:s17] =	ssyncadd.s32 $0xFFFF8000  }
0x237: {  	[hbm4b:s28+s3] =	stream.linear.scatter [tilespmem:s1], [sflag:$0x2], $0x8000, $0x38;
	[tilespmem:$0x18600] =	vst v63  }
0x238: {  	v4 =	vld [tilespmem:$0x0]  }
0x239: {  	v5 =	vld [tilespmem:$0x10]  }
0x23a: {  	v6 =	vld [tilespmem:$0x20]  }
0x23b: {  	v7 =	vld [tilespmem:$0x30]  }
0x23c: {  	v8 =	vld [tilespmem:$0x40]  }
0x23d: {  	v9 =	vld [tilespmem:$0x50];
	v4 =	vsub.s32 v4, v0  }
0x23e: {  	[tilespmem:$0x18400] =	vst v4;
	v4 =	vsub.s32 v5, v0;
	v5 =	vld [tilespmem:$0x60]  }
0x23f: {  	v44 =	vld [tilespmem:$0x70];
	[tilespmem:$0x18410] =	vst v4;
	v4 =	vsub.s32 v6, v0  }
0x240: {  	v45 =	vld [tilespmem:$0x80];
	[tilespmem:$0x18420] =	vst v4;
	v4 =	vsub.s32 v7, v0  }
0x241: {  	v46 =	vld [tilespmem:$0x90];
	[tilespmem:$0x18430] =	vst v4;
	v4 =	vsub.s32 v8, v0  }
0x242: {  	v47 =	vld [tilespmem:$0xA0];
	[tilespmem:$0x18440] =	vst v4;
	v4 =	vsub.s32 v9, v0  }
0x243: {  	[tilespmem:$0x18450] =	vst v4;
	v4 =	vsub.s32 v5, v0;
	v5 =	vld [tilespmem:$0xB0]  }
0x244: {  	v48 =	vld [tilespmem:$0xC0];
	[tilespmem:$0x18460] =	vst v4;
	v4 =	vsub.s32 v44, v0  }
0x245: {  	v49 =	vld [tilespmem:$0xD0];
	[tilespmem:$0x18470] =	vst v4;
	v4 =	vsub.s32 v45, v0  }
0x246: {  	v50 =	vld [tilespmem:$0xE0];
	[tilespmem:$0x18480] =	vst v4;
	v4 =	vsub.s32 v46, v0  }
0x247: {  	v51 =	vld [tilespmem:$0xF0];
	[tilespmem:$0x18490] =	vst v4;
	v4 =	vsub.s32 v47, v0  }
0x248: {  	[tilespmem:$0x184A0] =	vst v4;
	v4 =	vsub.s32 v5, v0;
	v5 =	vld [tilespmem:$0x100]  }
0x249: {  	v52 =	vld [tilespmem:$0x110];
	[tilespmem:$0x184B0] =	vst v4;
	v4 =	vsub.s32 v48, v0  }
0x24a: {  	v53 =	vld [tilespmem:$0x120];
	[tilespmem:$0x184C0] =	vst v4;
	v4 =	vsub.s32 v49, v0  }
0x24b: {  	v54 =	vld [tilespmem:$0x130];
	[tilespmem:$0x184D0] =	vst v4;
	v4 =	vsub.s32 v50, v0  }
0x24c: {  	v55 =	vld [tilespmem:$0x140];
	[tilespmem:$0x184E0] =	vst v4;
	v4 =	vsub.s32 v51, v0  }
0x24d: {  	[tilespmem:$0x184F0] =	vst v4;
	v4 =	vsub.s32 v5, v0;
	v5 =	vld [tilespmem:$0x150]  }
0x24e: {  	v56 =	vld [tilespmem:$0x160];
	[tilespmem:$0x18500] =	vst v4;
	v4 =	vsub.s32 v52, v0  }
0x24f: {  	v57 =	vld [tilespmem:$0x170];
	[tilespmem:$0x18510] =	vst v4;
	v4 =	vsub.s32 v53, v0  }
0x250: {  	v58 =	vld [tilespmem:$0x180];
	[tilespmem:$0x18520] =	vst v4;
	v4 =	vsub.s32 v54, v0  }
0x251: {  	v59 =	vld [tilespmem:$0x190];
	[tilespmem:$0x18530] =	vst v4;
	v4 =	vsub.s32 v55, v0  }
0x252: {  	[tilespmem:$0x18540] =	vst v4;
	v4 =	vsub.s32 v5, v0;
	v5 =	vld [tilespmem:$0x1A0]  }
0x253: {  	v60 =	vld [tilespmem:$0x1B0];
	[tilespmem:$0x18550] =	vst v4;
	v4 =	vsub.s32 v56, v0  }
0x254: {  	v61 =	vld [tilespmem:$0x1C0];
	[tilespmem:$0x18560] =	vst v4;
	v4 =	vsub.s32 v57, v0  }
0x255: {  	v62 =	vld [tilespmem:$0x1D0];
	[tilespmem:$0x18570] =	vst v4;
	v4 =	vsub.s32 v58, v0  }
0x256: {  	v63 =	vld [tilespmem:$0x1E0];
	[tilespmem:$0x18580] =	vst v4;
	v4 =	vsub.s32 v59, v0  }
0x257: {  	[tilespmem:$0x18590] =	vst v4;
	v4 =	vsub.s32 v5, v0;
	v5 =	vld [tilespmem:$0x1F0]  }
0x258: {  	[tilespmem:$0x185A0] =	vst v4;
	v4 =	vsub.s32 v60, v0  }
0x259: {  	[tilespmem:$0x185B0] =	vst v4;
	v4 =	vsub.s32 v61, v0  }
0x25a: {  	s29 =	rddreg [dreg:$0xe];
	[tilespmem:$0x185C0] =	vst v4;
	v4 =	vsub.s32 v62, v0  }
0x25b: {  	s4 =	rddreg [dreg:$0x10];
	[tilespmem:$0x185D0] =	vst v4;
	v4 =	vsub.s32 v63, v0  }
0x25c: {  	s24 =	rddreg [dreg:$0x12];
	[tilespmem:$0x185E0] =	vst v4;
	v4 =	vsub.s32 v5, v0  }
0x25d: {  	s2 =	simm.s32 $0x400;
	s26 =	rddreg [dreg:$0x13];
	s1 =	simm.s32 $0x80;
	[tilespmem:$0x185F0] =	vst v4  }
0x25e: {  	[hbm4b:s29+s1] =	stream.strided.scatter [tilespmem:s4], [sflag:$0x4], $0x200, s2, s1, $0x38;
	[tilespmem:$0x18600] =	vst v63  }
0x25f: {  	s28 =	rddreg [dreg:$0x11];
	s4 =	simm.s32 $0x18200  }
0x260: {  	[tilespmem:s4], [sflag:$0x3] =	stream.indirect.gather [hbm4b:s5+s31], $0x1, s3, s31, $0xb8;
	[tilespmem:$0x18600] =	vst v63  }
0x261: {  	s29 =	rddreg [dreg:$0x14]  }
0x262: {  	[tilespmem:s28], [sflag:$0x3] =	stream.indirect.gather [hbm4b:s5+s31], $0x1, s31, s31, $0xb8;
	[tilespmem:$0x18600] =	vst v63  }
0x263: {  	s28 =	rddreg [dreg:$0x17]  }
0x264: {  	[tilespmem:s24], [sflag:$0x3] =	stream.indirect.gather [hbm4b:s5+s31], $0x1, s1, s31, $0xb8;
	[tilespmem:$0x18600] =	vst v63  }
0x265: {  	s24 =	rddreg [dreg:$0x15]  }
0x266: {  	[tilespmem:s29], [sflag:$0x3] =	stream.indirect.gather [hbm4b:s5+s31], $0x1, s26, s31, $0xb8;
	[tilespmem:$0x18600] =	vst v63  }
0x267: {  	s26 =	rddreg [dreg:$0x16]  }
0x268: {  	s29 =	rddreg [dreg:$0x18]  }
0x269: {  	[tilespmem:s26], [sflag:$0x3] =	stream.indirect.gather [hbm4b:s5+s31], $0x1, s24, s31, $0xb8;
	[tilespmem:$0x18600] =	vst v63  }
0x26a: {  	s24 =	rddreg [dreg:$0x19]  }
0x26b: {  	s26 =	rddreg [dreg:$0x1a]  }
0x26c: {  	[tilespmem:s29], [sflag:$0x3] =	stream.indirect.gather [hbm4b:s5+s31], $0x1, s28, s31, $0xb8;
	[tilespmem:$0x18600] =	vst v63  }
0x26d: {  	s28 =	rddreg [dreg:$0x1b]  }
0x26e: {  	[tilespmem:s26], [sflag:$0x3] =	stream.indirect.gather [hbm4b:s5+s31], $0x1, s24, s31, $0xb8;
	[tilespmem:$0x18600] =	vst v63  }
0x26f: {  	s29 =	rddreg [dreg:$0x1c]  }
0x270: {  	[tilespmem:s29], [sflag:$0x3] =	stream.indirect.gather [hbm4b:s5+s31], $0x1, s28, s31, $0xb8;
	[tilespmem:$0x18600] =	vst v63  }
0x271: {  	_ =	swait.ge [sflag:s19], $0x8000  }
0x272: {  	[sflag:s19] =	ssyncset.done $0x0  }
0x273: {  	[sflag:s19] =	ssyncadd.s32 $0xFFFF8000  }
0x274: {  	_ =	swait.ge [sflag:s19], $0x8000  }
0x275: {  	[sflag:s19] =	ssyncset.done $0x0  }
0x276: {  	[sflag:s19] =	ssyncadd.s32 $0xFFFF8000  }
0x277: {  	_ =	swait.ge [sflag:s19], $0x8000  }
0x278: {  	[sflag:s19] =	ssyncset.done $0x0  }
0x279: {  	[sflag:s19] =	ssyncadd.s32 $0xFFFF8000  }
0x27a: {  	_ =	swait.ge [sflag:s22], $0x40  }
0x27b: {  	[sflag:s22] =	ssyncset.done $0x0  }
0x27c: {  	[sflag:s22] =	ssyncadd.s32 $0xFFFFFFC0  }
0x27d: {  	_ =	swait.ge [sflag:s22], $0x40  }
0x27e: {  	[sflag:s22] =	ssyncset.done $0x0  }
0x27f: {  	[sflag:s22] =	ssyncadd.s32 $0xFFFFFFC0  }
0x280: {  	_ =	swait.ge [sflag:s22], $0x40  }
0x281: {  	[sflag:s22] =	ssyncset.done $0x0  }
0x282: {  	[sflag:s22] =	ssyncadd.s32 $0xFFFFFFC0  }
0x283: {  	_ =	swait.ge [sflag:s22], $0x40  }
0x284: {  	[sflag:s22] =	ssyncset.done $0x0  }
0x285: {  	[sflag:s22] =	ssyncadd.s32 $0xFFFFFFC0  }
0x286: {  	_ =	swait.ge [sflag:s22], $0x40  }
0x287: {  	[sflag:s22] =	ssyncset.done $0x0  }
0x288: {  	[sflag:s22] =	ssyncadd.s32 $0xFFFFFFC0  }
0x289: {  	_ =	swait.ge [sflag:s22], $0x40  }
0x28a: {  	[sflag:s22] =	ssyncset.done $0x0  }
0x28b: {  	[sflag:s22] =	ssyncadd.s32 $0xFFFFFFC0  }
0x28c: {  	_ =	swait.ge [sflag:s22], $0x40  }
0x28d: {  	[sflag:s22] =	ssyncset.done $0x0  }
0x28e: {  	[sflag:s22] =	ssyncadd.s32 $0xFFFFFFC0  }
0x28f: {  	_ =	swait.ge [sflag:s22], $0x40  }
0x290: {  	[sflag:s22] =	ssyncset.done $0x0  }
0x291: {  	s28 =	simm.s32 $0x5;
	s26 =	rddreg [dreg:$0xf];
	[sflag:s22] =	ssyncadd.s32 $0xFFFFFFC0  }
0x292: {  	[hbm4b:s26+s1] =	stream.strided.scatter [tilespmem:s4], [sflag:$0x5], $0x200, s2, s1, $0x38;
	[tilespmem:$0x18600] =	vst v63  }
0x293: {  	p0 =	sne.s32 s7, $0x1;
	_ =	swait.ge [sflag:s28], $0x200  }
.Ltmp0:
0x294: {  	[sflag:s28] =	ssyncset.done $0x0;
	(pc) =	sbr.rel @p0 .LBB2_1-.Ltmp0, $4  }
0x295: {  	s29 =	simm.s32 $0x4;
	[sflag:s28] =	ssyncadd.s32 $0xFFFFFE00  }
0x296: {  	_ =	swait.ge [sflag:s29], $0x200  }
0x297: {  	[sflag:s29] =	ssyncset.done $0x0  }
0x298: {  	s7 =	sadd.s32 $0xFFFFFFFF, s7;
	[sflag:s29] =	ssyncadd.s32 $0xFFFFFE00  }
0x299: {  	_ =	sfence.sel $0x180000  }
0x29a: {  	[bflag:$0x0] =	sbarrier.arrive $0xFFFF  }
0x29b: {  	_ =	strace $0x90000047  }
0x29c: {  	s0 =	stileid.u32;
	[bflag:$0x2] =	sbarrier.arrive $0xFFFF  }
0x29d: {  	p0 =	sne.s32 s0, $0x0;
	s0 =	rddreg [dreg:$0x5]  }
0x29e: {  	s0 =	sadd.s32 @!p0 $0x100000, s0  }
0x29f: {  	[sflag:s0] =	ssyncadd.tile.s32 @!p0 $0x1;
	_ =	shalt  }
.Lfunc_end2:
_tile_overlayer_lowered:
.L_overlay_start_2:
0x2a0: {  	(tag) =	ssettag $0x2  }
0x2a1: {  	s0 =	rddreg [dreg:$0x0];
	s2 =	stileid.u32  }
0x2a2: {  	s1 =	rddreg [dreg:$0x1];
	p0 =	sne.s32 s2, $0x0  }
0x2a3: {  	s3 =	rddreg [dreg:$0x2];
	[bflag:$0x3] =	sbarrier.arrive $0xFFFF;
	s2 =	simm.s32 @!p0 $0x1C05  }
0x2a4: {  	[timem:s3], [sflag:s2] =	dma.local @!p0 [hbm:s0], s1  }
0x2a5: {  	s0 =	simm.s32 @!p0 $0x5  }
0x2a6: {  	_ =	swait.ge @!p0 [sflag:s0], s1  }
0x2a7: {  	s1 =	ssub.s32 @!p0 $0x0, s1;
	[sflag:s0] =	ssyncset.done @!p0 $0x0  }
0x2a8: {  	[sflag:s0] =	ssyncadd.s32 @!p0 s1  }
0x2a9: {  	[bflag:$0x3] =	sbarrier.arrive $0xFFFF  }
0x2aa: {  	_ =	shalt  }

</sc_bundles>
